<compile_context>
chip_gen: v7x
topology: tpu7x:2x2x1
jax: 0.10.2.dev20260603
libtpu: 0.0.44.dev20260713+nightly
codegen_flags: <defaults>
</compile_context>

<pallas_src>
import functools

import jax
import jax.numpy as jnp
from jax import lax
from jax.experimental import pallas as pl
from jax.experimental.pallas import tpu as pltpu
from jax.experimental.pallas import tpu_sc as plsc

NUM_EMB = 100000
D = 64
SEQ = 64
B = 4096
C = 11

NC = 2
NS = 16
NW = NC * NS
BROWS = B // NW
CHUNK = BROWS
NBUF = 4
KCH = SEQ * D // 128


def _gather_body(table_hbm, idxt_hbm, out_hbm, idx_v, rows_v, s0, s1, s2, s3):
    sems = (s0, s1, s2, s3)
    wid = lax.axis_index("s") * NC + lax.axis_index("c")
    b0 = wid * BROWS
    pltpu.sync_copy(idxt_hbm.at[:, pl.ds(b0, BROWS)], idx_v)

    def _write(s, b):
        pltpu.sync_copy(
            rows_v.at[b],
            out_hbm.at[
                pl.ds((s // 2) * B + b0, BROWS),
                pl.ds((s % 2) * D, D),
            ],
        )

    for b in range(NBUF):
        pltpu.async_copy(table_hbm.at[idx_v.at[b]], rows_v.at[b], sems[b])

    def body(i, _):
        for b in range(NBUF):
            s = i * NBUF + b
            pltpu.make_async_copy(
                table_hbm.at[idx_v.at[s]], rows_v.at[b], sems[b]
            ).wait()
            _write(s, b)
            pltpu.async_copy(
                table_hbm.at[idx_v.at[s + NBUF]], rows_v.at[b], sems[b]
            )
        return 0

    lax.fori_loop(0, SEQ // NBUF - 1, body, 0)

    for b in range(NBUF):
        s = SEQ - NBUF + b
        pltpu.make_async_copy(
            table_hbm.at[idx_v.at[s]], rows_v.at[b], sems[b]
        ).wait()
        _write(s, b)


@functools.lru_cache(maxsize=None)
def _make_gather():
    return pl.kernel(
        _gather_body,
        out_type=jax.ShapeDtypeStruct((KCH * B, 128), jnp.float32),
        mesh=plsc.VectorSubcoreMesh(core_axis_name="c", subcore_axis_name="s"),
        scratch_types=[
            pltpu.VMEM((SEQ, BROWS), jnp.int32),
            pltpu.VMEM((NBUF, CHUNK, D), jnp.float32),
            pltpu.SemaphoreType.DMA,
            pltpu.SemaphoreType.DMA,
            pltpu.SemaphoreType.DMA,
            pltpu.SemaphoreType.DMA,
        ],
        compiler_params=pltpu.CompilerParams(use_tc_tiling_on_sc=False),
    )


KSTEP = 4


def _mm_body(y_ref, w_ref, b_ref, o_ref):
    t = pl.program_id(0)

    @pl.when(t == 0)
    def _():
        o_ref[...] = jnp.broadcast_to(b_ref[0:1, :], o_ref.shape)

    yb = jnp.concatenate(
        [y_ref[pl.ds(k * B, B), :] for k in range(KSTEP)], axis=1
    )
    o_ref[...] += jnp.dot(
        yb, w_ref[...], preferred_element_type=jnp.float32
    )


def kernel(input, table, fc_w, fc_b):
    idxt = input.astype(jnp.int32).T
    y = _make_gather()(table, idxt)

    w_pad = (
        jnp.zeros((SEQ * D, 128), jnp.float32)
        .at[:, :C]
        .set(fc_w.T)
        .astype(jnp.bfloat16)
    )
    b_pad = jnp.zeros((8, 128), jnp.float32).at[:, :C].set(fc_b)

    out_pad = pl.pallas_call(
        _mm_body,
        grid=(KCH // KSTEP,),
        in_specs=[
            pl.BlockSpec((KSTEP * B, 128), lambda t: (t, 0)),
            pl.BlockSpec((KSTEP * 128, 128), lambda t: (t, 0)),
            pl.BlockSpec((8, 128), lambda t: (0, 0)),
        ],
        out_specs=pl.BlockSpec((B, 128), lambda t: (0, 0)),
        out_shape=jax.ShapeDtypeStruct((B, 128), jnp.float32),
        compiler_params=pltpu.CompilerParams(
            dimension_semantics=("arbitrary",),
        ),
    )(y, w_pad, b_pad)
    return out_pad[:, :C]

# --- scband reference (transcript-rebuilt; emitter-appended) ---
"""Pipeline reference for scband-classifier-8349416423656 (READ-ONLY COPY).

The authoritative reference and input builder live on the scoring server;
editing this copy changes nothing except your own understanding.
"""

import jax, jax.numpy as jnp
import numpy as np

NUM_EMBEDDINGS = 100000
EMBED_DIM = 64
SEQ = 64
BATCH = 4096
NUM_CLASSES = 11


def setup_inputs(seed: int = 0) -> dict:
    key = jax.random.key(seed)
    k1, k2, k3, k4 = jax.random.split(key, 4)
    input_ids = jax.random.randint(k1, (BATCH, SEQ), 0, NUM_EMBEDDINGS, dtype=jnp.int64 if jax.config.jax_enable_x64 else jnp.int32)
    table = jax.random.normal(k2, (NUM_EMBEDDINGS, EMBED_DIM), dtype=jnp.float32)
    # torch nn.Linear: weight [out, in], bias [out]
    fan_in = EMBED_DIM * SEQ
    bound = 1.0 / np.sqrt(fan_in)
    fc_w = jax.random.uniform(k3, (NUM_CLASSES, fan_in), minval=-bound, maxval=bound, dtype=jnp.float32)
    fc_b = jax.random.uniform(k4, (NUM_CLASSES,), minval=-bound, maxval=bound, dtype=jnp.float32)
    return {"input": input_ids, "table": table, "fc_w": fc_w, "fc_b": fc_b}


def reference(input, table, fc_w, fc_b):
    # embedding lookup (gather)
    embedded = jnp.take(table, input, axis=0)  # [B, SEQ, D]
    x = embedded.reshape(embedded.shape[0], -1)  # [B, SEQ*D]
    out = x @ fc_w.T + fc_b  # [B, num_classes]
    return out

if __name__ == "__main__":
    import jax
    _d = setup_inputs()
    print(jax.jit(kernel)(*tuple(_d.values())))

</pallas_src>

<mosaic_0001>
#map = affine_map<(d0, d1) -> (0, 0)>
module attributes {stable_mosaic.version = 14 : i64} {
  func.func @_gather_body(%arg0: i32, %arg1: i32, %arg2: memref<100000x64xf32, #tpu.memory_space<hbm>>, %arg3: memref<64x4096xi32, #tpu.memory_space<hbm>>, %arg4: memref<131072x128xf32, #tpu.memory_space<hbm>>, %arg5: memref<64x128xi32, #tpu.memory_space<vmem>>, %arg6: memref<4x128x64xf32, #tpu.memory_space<vmem>>, %arg7: memref<!tpu.dma_semaphore, #tpu.memory_space<semaphore_mem>>, %arg8: memref<!tpu.dma_semaphore, #tpu.memory_space<semaphore_mem>>, %arg9: memref<!tpu.dma_semaphore, #tpu.memory_space<semaphore_mem>>, %arg10: memref<!tpu.dma_semaphore, #tpu.memory_space<semaphore_mem>>) attributes {dimension_semantics = [#tpu.dimension_semantics<core_parallel>, #tpu.dimension_semantics<subcore_parallel>], iteration_bounds = array<i64: 2, 16>, scalar_prefetch = 0 : i64, scratch_operands = 6 : i64, tpu.core_type = #tpu.core_type<sc_vector_subcore>, window_params = [{transform_indices = #map}, {transform_indices = #map}, {transform_indices = #map}]} {
    %mul3A = arith.constant 2 : i32
    %mul3A_0 = arith.muli %arg1, %mul3A : i32
    %add3A = arith.addi %mul3A_0, %arg0 : i32
    %mul3A_1 = arith.constant 128 : i32
    %mul3A_2 = arith.muli %add3A, %mul3A_1 : i32
    "tpu.region"() ({
      %run_scoped3A_114 = tpu.sem_alloc : memref<!tpu.dma_semaphore, #tpu.memory_space<semaphore_mem>>
      %dma_start3A_115 = arith.constant 0 : i32
      %dma_start3A_116 = tpu.memref_slice %arg3[%dma_start3A_115, %mul3A_2] : memref<64x4096xi32, #tpu.memory_space<hbm>> -> memref<64x128xi32, #tpu.memory_space<hbm>>
      %dma_start3A_117 = arith.constant 0 : i32
      %dma_start3A_118 = tpu.memref_slice %arg3[%dma_start3A_117, %mul3A_2] : memref<64x4096xi32, #tpu.memory_space<hbm>> -> memref<64x128xi32, #tpu.memory_space<hbm>>
      tpu.enqueue_dma source(%dma_start3A_118 : memref<64x128xi32, #tpu.memory_space<hbm>>) target(%arg5 : memref<64x128xi32, #tpu.memory_space<vmem>>) target_semaphore(%run_scoped3A_114 : memref<!tpu.dma_semaphore, #tpu.memory_space<semaphore_mem>>)
      %dma_wait3A_119 = arith.constant 0 : i32
      %dma_wait3A_120 = tpu.memref_slice %arg3[%dma_wait3A_119, %mul3A_2] : memref<64x4096xi32, #tpu.memory_space<hbm>> -> memref<64x128xi32, #tpu.memory_space<hbm>>
      %dma_wait3A_121 = arith.constant 0 : i32
      %dma_wait3A_122 = tpu.memref_slice %arg3[%dma_wait3A_121, %mul3A_2] : memref<64x4096xi32, #tpu.memory_space<hbm>> -> memref<64x128xi32, #tpu.memory_space<hbm>>
      tpu.wait_dma2 semaphore(%run_scoped3A_114 : memref<!tpu.dma_semaphore, #tpu.memory_space<semaphore_mem>>) src(%dma_wait3A_122 : memref<64x128xi32, #tpu.memory_space<hbm>>) dst(%arg5 : memref<64x128xi32, #tpu.memory_space<vmem>>)
      tpu.yield
    }) : () -> ()
    %dma_start3A = arith.constant 0 : i32
    %dma_start3A_3 = arith.constant 0 : i32
    %dma_start3A_4 = arith.constant 0 : i32
    %dma_start3A_5 = arith.constant 0 : i32
    %dma_start3A_6 = tpu.memref_slice %arg6[%dma_start3A_3, %dma_start3A_4, %dma_start3A_5] : memref<4x128x64xf32, #tpu.memory_space<vmem>> -> memref<1x128x64xf32, #tpu.memory_space<vmem>>
    %dma_start3A_7 = tpu.memref_squeeze %dma_start3A_6 : memref<1x128x64xf32, #tpu.memory_space<vmem>> -> memref<128x64xf32, #tpu.memory_space<vmem>>
    %dma_start3A_8 = arith.constant 0 : i32
    %dma_start3A_9 = tpu.memref_slice %arg5[%dma_start3A, %dma_start3A_8] : memref<64x128xi32, #tpu.memory_space<vmem>> -> memref<1x128xi32, #tpu.memory_space<vmem>>
    %dma_start3A_10 = tpu.memref_squeeze %dma_start3A_9 : memref<1x128xi32, #tpu.memory_space<vmem>> -> memref<128xi32, #tpu.memory_space<vmem>>
    %dma_start3A_11 = arith.constant 0 : i32
    %dma_start3A_12 = arith.constant 0 : i32
    %dma_start3A_13 = tpu.memref_slice %arg2[%dma_start3A_11, %dma_start3A_12] : memref<100000x64xf32, #tpu.memory_space<hbm>> -> memref<100000x64xf32, #tpu.memory_space<hbm>>
    tpu.enqueue_indirect_dma source(%dma_start3A_13 : memref<100000x64xf32, #tpu.memory_space<hbm>>) target(%dma_start3A_7 : memref<128x64xf32, #tpu.memory_space<vmem>>) offsets(%dma_start3A_10 : memref<128xi32, #tpu.memory_space<vmem>>) semaphore(%arg7 : memref<!tpu.dma_semaphore, #tpu.memory_space<semaphore_mem>>)
    %dma_start3A_14 = arith.constant 1 : i32
    %dma_start3A_15 = arith.constant 1 : i32
    %dma_start3A_16 = arith.constant 0 : i32
    %dma_start3A_17 = arith.constant 0 : i32
    %dma_start3A_18 = tpu.memref_slice %arg6[%dma_start3A_15, %dma_start3A_16, %dma_start3A_17] : memref<4x128x64xf32, #tpu.memory_space<vmem>> -> memref<1x128x64xf32, #tpu.memory_space<vmem>>
    %dma_start3A_19 = tpu.memref_squeeze %dma_start3A_18 : memref<1x128x64xf32, #tpu.memory_space<vmem>> -> memref<128x64xf32, #tpu.memory_space<vmem>>
    %dma_start3A_20 = arith.constant 0 : i32
    %dma_start3A_21 = tpu.memref_slice %arg5[%dma_start3A_14, %dma_start3A_20] : memref<64x128xi32, #tpu.memory_space<vmem>> -> memref<1x128xi32, #tpu.memory_space<vmem>>
    %dma_start3A_22 = tpu.memref_squeeze %dma_start3A_21 : memref<1x128xi32, #tpu.memory_space<vmem>> -> memref<128xi32, #tpu.memory_space<vmem>>
    %dma_start3A_23 = arith.constant 0 : i32
    %dma_start3A_24 = arith.constant 0 : i32
    %dma_start3A_25 = tpu.memref_slice %arg2[%dma_start3A_23, %dma_start3A_24] : memref<100000x64xf32, #tpu.memory_space<hbm>> -> memref<100000x64xf32, #tpu.memory_space<hbm>>
    tpu.enqueue_indirect_dma source(%dma_start3A_25 : memref<100000x64xf32, #tpu.memory_space<hbm>>) target(%dma_start3A_19 : memref<128x64xf32, #tpu.memory_space<vmem>>) offsets(%dma_start3A_22 : memref<128xi32, #tpu.memory_space<vmem>>) semaphore(%arg8 : memref<!tpu.dma_semaphore, #tpu.memory_space<semaphore_mem>>)
    %dma_start3A_26 = arith.constant 2 : i32
    %dma_start3A_27 = arith.constant 2 : i32
    %dma_start3A_28 = arith.constant 0 : i32
    %dma_start3A_29 = arith.constant 0 : i32
    %dma_start3A_30 = tpu.memref_slice %arg6[%dma_start3A_27, %dma_start3A_28, %dma_start3A_29] : memref<4x128x64xf32, #tpu.memory_space<vmem>> -> memref<1x128x64xf32, #tpu.memory_space<vmem>>
    %dma_start3A_31 = tpu.memref_squeeze %dma_start3A_30 : memref<1x128x64xf32, #tpu.memory_space<vmem>> -> memref<128x64xf32, #tpu.memory_space<vmem>>
    %dma_start3A_32 = arith.constant 0 : i32
    %dma_start3A_33 = tpu.memref_slice %arg5[%dma_start3A_26, %dma_start3A_32] : memref<64x128xi32, #tpu.memory_space<vmem>> -> memref<1x128xi32, #tpu.memory_space<vmem>>
    %dma_start3A_34 = tpu.memref_squeeze %dma_start3A_33 : memref<1x128xi32, #tpu.memory_space<vmem>> -> memref<128xi32, #tpu.memory_space<vmem>>
    %dma_start3A_35 = arith.constant 0 : i32
    %dma_start3A_36 = arith.constant 0 : i32
    %dma_start3A_37 = tpu.memref_slice %arg2[%dma_start3A_35, %dma_start3A_36] : memref<100000x64xf32, #tpu.memory_space<hbm>> -> memref<100000x64xf32, #tpu.memory_space<hbm>>
    tpu.enqueue_indirect_dma source(%dma_start3A_37 : memref<100000x64xf32, #tpu.memory_space<hbm>>) target(%dma_start3A_31 : memref<128x64xf32, #tpu.memory_space<vmem>>) offsets(%dma_start3A_34 : memref<128xi32, #tpu.memory_space<vmem>>) semaphore(%arg9 : memref<!tpu.dma_semaphore, #tpu.memory_space<semaphore_mem>>)
    %dma_start3A_38 = arith.constant 3 : i32
    %dma_start3A_39 = arith.constant 3 : i32
    %dma_start3A_40 = arith.constant 0 : i32
    %dma_start3A_41 = arith.constant 0 : i32
    %dma_start3A_42 = tpu.memref_slice %arg6[%dma_start3A_39, %dma_start3A_40, %dma_start3A_41] : memref<4x128x64xf32, #tpu.memory_space<vmem>> -> memref<1x128x64xf32, #tpu.memory_space<vmem>>
    %dma_start3A_43 = tpu.memref_squeeze %dma_start3A_42 : memref<1x128x64xf32, #tpu.memory_space<vmem>> -> memref<128x64xf32, #tpu.memory_space<vmem>>
    %dma_start3A_44 = arith.constant 0 : i32
    %dma_start3A_45 = tpu.memref_slice %arg5[%dma_start3A_38, %dma_start3A_44] : memref<64x128xi32, #tpu.memory_space<vmem>> -> memref<1x128xi32, #tpu.memory_space<vmem>>
    %dma_start3A_46 = tpu.memref_squeeze %dma_start3A_45 : memref<1x128xi32, #tpu.memory_space<vmem>> -> memref<128xi32, #tpu.memory_space<vmem>>
    %dma_start3A_47 = arith.constant 0 : i32
    %dma_start3A_48 = arith.constant 0 : i32
    %dma_start3A_49 = tpu.memref_slice %arg2[%dma_start3A_47, %dma_start3A_48] : memref<100000x64xf32, #tpu.memory_space<hbm>> -> memref<100000x64xf32, #tpu.memory_space<hbm>>
    tpu.enqueue_indirect_dma source(%dma_start3A_49 : memref<100000x64xf32, #tpu.memory_space<hbm>>) target(%dma_start3A_43 : memref<128x64xf32, #tpu.memory_space<vmem>>) offsets(%dma_start3A_46 : memref<128xi32, #tpu.memory_space<vmem>>) semaphore(%arg10 : memref<!tpu.dma_semaphore, #tpu.memory_space<semaphore_mem>>)
    %scan3A = arith.constant 0 : i32
    %scan3A_50 = arith.constant 0 : i32
    %scan3A_51 = arith.constant 15 : i32
    %scan3A_52 = arith.addi %scan3A_50, %scan3A_51 : i32
    %scan3A_53 = arith.constant 1 : i32
    %scan3A_54 = scf.for %scan3A_114 = %scan3A_50 to %scan3A_52 step %scan3A_53 iter_args(%scan3A_115 = %scan3A) -> (i32)  : i32 {
      %mul3A_116 = arith.constant 4 : i32
      %mul3A_117 = arith.muli %scan3A_114, %mul3A_116 : i32
      %add3A_118 = arith.constant 0 : i32
      %add3A_119 = arith.addi %mul3A_117, %add3A_118 : i32
      %dma_wait3A_120 = arith.constant 0 : i32
      %dma_wait3A_121 = arith.constant 0 : i32
      %dma_wait3A_122 = arith.constant 0 : i32
      %dma_wait3A_123 = tpu.memref_slice %arg6[%dma_wait3A_120, %dma_wait3A_121, %dma_wait3A_122] : memref<4x128x64xf32, #tpu.memory_space<vmem>> -> memref<1x128x64xf32, #tpu.memory_space<vmem>>
      %dma_wait3A_124 = tpu.memref_squeeze %dma_wait3A_123 : memref<1x128x64xf32, #tpu.memory_space<vmem>> -> memref<128x64xf32, #tpu.memory_space<vmem>>
      %dma_wait3A_125 = arith.constant 0 : i32
      %dma_wait3A_126 = tpu.memref_slice %arg5[%add3A_119, %dma_wait3A_125] : memref<64x128xi32, #tpu.memory_space<vmem>> -> memref<1x128xi32, #tpu.memory_space<vmem>>
      %dma_wait3A_127 = tpu.memref_squeeze %dma_wait3A_126 : memref<1x128xi32, #tpu.memory_space<vmem>> -> memref<128xi32, #tpu.memory_space<vmem>>
      %dma_wait3A_128 = arith.constant 0 : i32
      %dma_wait3A_129 = arith.constant 0 : i32
      %dma_wait3A_130 = tpu.memref_slice %arg2[%dma_wait3A_128, %dma_wait3A_129] : memref<100000x64xf32, #tpu.memory_space<hbm>> -> memref<100000x64xf32, #tpu.memory_space<hbm>>
      tpu.wait_indirect_dma semaphore(%arg7 : memref<!tpu.dma_semaphore, #tpu.memory_space<semaphore_mem>>) src(%dma_wait3A_130 : memref<100000x64xf32, #tpu.memory_space<hbm>>) dst(%dma_wait3A_124 : memref<128x64xf32, #tpu.memory_space<vmem>>)
      %jit3A = arith.constant 2 : i32
      %div3A = arith.divsi %add3A_119, %jit3A : i32
      %sign3A = arith.constant 0 : i32
      %sign3A_131 = arith.cmpi sgt, %add3A_119, %sign3A : i32
      %sign3A_132 = arith.extui %sign3A_131 : i1 to i32
      %sign3A_133 = arith.constant 0 : i32
      %sign3A_134 = arith.cmpi slt, %add3A_119, %sign3A_133 : i32
      %sign3A_135 = arith.extui %sign3A_134 : i1 to i32
      %sign3A_136 = arith.subi %sign3A_132, %sign3A_135 : i32
      %sign3A_137 = arith.constant 0 : i32
      %sign3A_138 = arith.cmpi sgt, %jit3A, %sign3A_137 : i32
      %sign3A_139 = arith.extui %sign3A_138 : i1 to i32
      %sign3A_140 = arith.constant 0 : i32
      %sign3A_141 = arith.cmpi slt, %jit3A, %sign3A_140 : i32
      %sign3A_142 = arith.extui %sign3A_141 : i1 to i32
      %sign3A_143 = arith.subi %sign3A_139, %sign3A_142 : i32
      %ne3A = arith.cmpi ne, %sign3A_136, %sign3A_143 : i32
      %rem3A = arith.remsi %add3A_119, %jit3A : i32
      %ne3A_144 = arith.constant 0 : i32
      %ne3A_145 = arith.cmpi ne, %rem3A, %ne3A_144 : i32
      %and3A = arith.andi %ne3A, %ne3A_145 : i1
      %sub3A = arith.constant 1 : i32
      %sub3A_146 = arith.subi %div3A, %sub3A : i32
      %select_n3A = arith.select %and3A, %sub3A_146, %div3A : i32
      %mul3A_147 = arith.constant 4096 : i32
      %mul3A_148 = arith.muli %select_n3A, %mul3A_147 : i32
      %add3A_149 = arith.addi %mul3A_148, %mul3A_2 : i32
      %jit3A_150 = arith.constant 2 : i32
      %eq3A = arith.constant 0 : i32
      %eq3A_151 = arith.cmpi eq, %jit3A_150, %eq3A : i32
      %jit3A_152 = arith.constant 1 : i32
      %select_n3A_153 = arith.select %eq3A_151, %jit3A_152, %jit3A_150 : i32
      %rem3A_154 = arith.remsi %add3A_119, %select_n3A_153 : i32
      %ne3A_155 = arith.constant 0 : i32
      %ne3A_156 = arith.cmpi ne, %rem3A_154, %ne3A_155 : i32
      %lt3A = arith.constant 0 : i32
      %lt3A_157 = arith.cmpi slt, %rem3A_154, %lt3A : i32
      %lt3A_158 = arith.constant 0 : i32
      %lt3A_159 = arith.cmpi slt, %select_n3A_153, %lt3A_158 : i32
      %ne3A_160 = arith.xori %lt3A_157, %lt3A_159 : i1
      %and3A_161 = arith.andi %ne3A_160, %ne3A_156 : i1
      %add3A_162 = arith.addi %rem3A_154, %select_n3A_153 : i32
      %select_n3A_163 = arith.select %and3A_161, %add3A_162, %rem3A_154 : i32
      %mul3A_164 = arith.constant 64 : i32
      %mul3A_165 = arith.muli %select_n3A_163, %mul3A_164 : i32
      %run_scoped3A_166 = arith.constant 0 : i32
      "tpu.region"() ({
        %run_scoped3A_403 = tpu.sem_alloc : memref<!tpu.dma_semaphore, #tpu.memory_space<semaphore_mem>>
        %dma_start3A_404 = arith.constant 0 : i32
        %dma_start3A_405 = arith.constant 0 : i32
        %dma_start3A_406 = tpu.memref_slice %arg6[%run_scoped3A_166, %dma_start3A_404, %dma_start3A_405] : memref<4x128x64xf32, #tpu.memory_space<vmem>> -> memref<1x128x64xf32, #tpu.memory_space<vmem>>
        %dma_start3A_407 = tpu.memref_squeeze %dma_start3A_406 : memref<1x128x64xf32, #tpu.memory_space<vmem>> -> memref<128x64xf32, #tpu.memory_space<vmem>>
        %dma_start3A_408 = tpu.memref_slice %arg4[%add3A_149, %mul3A_165] : memref<131072x128xf32, #tpu.memory_space<hbm>> -> memref<128x64xf32, #tpu.memory_space<hbm>>
        %dma_start3A_409 = tpu.memref_slice %arg4[%add3A_149, %mul3A_165] : memref<131072x128xf32, #tpu.memory_space<hbm>> -> memref<128x64xf32, #tpu.memory_space<hbm>>
        %dma_start3A_410 = arith.constant 0 : i32
        %dma_start3A_411 = arith.constant 0 : i32
        %dma_start3A_412 = tpu.memref_slice %arg6[%run_scoped3A_166, %dma_start3A_410, %dma_start3A_411] : memref<4x128x64xf32, #tpu.memory_space<vmem>> -> memref<1x128x64xf32, #tpu.memory_space<vmem>>
        %dma_start3A_413 = tpu.memref_squeeze %dma_start3A_412 : memref<1x128x64xf32, #tpu.memory_space<vmem>> -> memref<128x64xf32, #tpu.memory_space<vmem>>
        tpu.enqueue_dma source(%dma_start3A_413 : memref<128x64xf32, #tpu.memory_space<vmem>>) target(%dma_start3A_409 : memref<128x64xf32, #tpu.memory_space<hbm>>) target_semaphore(%run_scoped3A_403 : memref<!tpu.dma_semaphore, #tpu.memory_space<semaphore_mem>>)
        %dma_wait3A_414 = arith.constant 0 : i32
        %dma_wait3A_415 = arith.constant 0 : i32
        %dma_wait3A_416 = tpu.memref_slice %arg6[%run_scoped3A_166, %dma_wait3A_414, %dma_wait3A_415] : memref<4x128x64xf32, #tpu.memory_space<vmem>> -> memref<1x128x64xf32, #tpu.memory_space<vmem>>
        %dma_wait3A_417 = tpu.memref_squeeze %dma_wait3A_416 : memref<1x128x64xf32, #tpu.memory_space<vmem>> -> memref<128x64xf32, #tpu.memory_space<vmem>>
        %dma_wait3A_418 = tpu.memref_slice %arg4[%add3A_149, %mul3A_165] : memref<131072x128xf32, #tpu.memory_space<hbm>> -> memref<128x64xf32, #tpu.memory_space<hbm>>
        %dma_wait3A_419 = tpu.memref_slice %arg4[%add3A_149, %mul3A_165] : memref<131072x128xf32, #tpu.memory_space<hbm>> -> memref<128x64xf32, #tpu.memory_space<hbm>>
        %dma_wait3A_420 = arith.constant 0 : i32
        %dma_wait3A_421 = arith.constant 0 : i32
        %dma_wait3A_422 = tpu.memref_slice %arg6[%run_scoped3A_166, %dma_wait3A_420, %dma_wait3A_421] : memref<4x128x64xf32, #tpu.memory_space<vmem>> -> memref<1x128x64xf32, #tpu.memory_space<vmem>>
        %dma_wait3A_423 = tpu.memref_squeeze %dma_wait3A_422 : memref<1x128x64xf32, #tpu.memory_space<vmem>> -> memref<128x64xf32, #tpu.memory_space<vmem>>
        tpu.wait_dma2 semaphore(%run_scoped3A_403 : memref<!tpu.dma_semaphore, #tpu.memory_space<semaphore_mem>>) src(%dma_wait3A_423 : memref<128x64xf32, #tpu.memory_space<vmem>>) dst(%dma_wait3A_419 : memref<128x64xf32, #tpu.memory_space<hbm>>)
        tpu.yield
      }) : () -> ()
      %add3A_167 = arith.constant 4 : i32
      %add3A_168 = arith.addi %add3A_119, %add3A_167 : i32
      %dma_start3A_169 = arith.constant 0 : i32
      %dma_start3A_170 = arith.constant 0 : i32
      %dma_start3A_171 = arith.constant 0 : i32
      %dma_start3A_172 = tpu.memref_slice %arg6[%dma_start3A_169, %dma_start3A_170, %dma_start3A_171] : memref<4x128x64xf32, #tpu.memory_space<vmem>> -> memref<1x128x64xf32, #tpu.memory_space<vmem>>
      %dma_start3A_173 = tpu.memref_squeeze %dma_start3A_172 : memref<1x128x64xf32, #tpu.memory_space<vmem>> -> memref<128x64xf32, #tpu.memory_space<vmem>>
      %dma_start3A_174 = arith.constant 0 : i32
      %dma_start3A_175 = tpu.memref_slice %arg5[%add3A_168, %dma_start3A_174] : memref<64x128xi32, #tpu.memory_space<vmem>> -> memref<1x128xi32, #tpu.memory_space<vmem>>
      %dma_start3A_176 = tpu.memref_squeeze %dma_start3A_175 : memref<1x128xi32, #tpu.memory_space<vmem>> -> memref<128xi32, #tpu.memory_space<vmem>>
      %dma_start3A_177 = arith.constant 0 : i32
      %dma_start3A_178 = arith.constant 0 : i32
      %dma_start3A_179 = tpu.memref_slice %arg2[%dma_start3A_177, %dma_start3A_178] : memref<100000x64xf32, #tpu.memory_space<hbm>> -> memref<100000x64xf32, #tpu.memory_space<hbm>>
      tpu.enqueue_indirect_dma source(%dma_start3A_179 : memref<100000x64xf32, #tpu.memory_space<hbm>>) target(%dma_start3A_173 : memref<128x64xf32, #tpu.memory_space<vmem>>) offsets(%dma_start3A_176 : memref<128xi32, #tpu.memory_space<vmem>>) semaphore(%arg7 : memref<!tpu.dma_semaphore, #tpu.memory_space<semaphore_mem>>)
      %mul3A_180 = arith.constant 4 : i32
      %mul3A_181 = arith.muli %scan3A_114, %mul3A_180 : i32
      %add3A_182 = arith.constant 1 : i32
      %add3A_183 = arith.addi %mul3A_181, %add3A_182 : i32
      %dma_wait3A_184 = arith.constant 1 : i32
      %dma_wait3A_185 = arith.constant 0 : i32
      %dma_wait3A_186 = arith.constant 0 : i32
      %dma_wait3A_187 = tpu.memref_slice %arg6[%dma_wait3A_184, %dma_wait3A_185, %dma_wait3A_186] : memref<4x128x64xf32, #tpu.memory_space<vmem>> -> memref<1x128x64xf32, #tpu.memory_space<vmem>>
      %dma_wait3A_188 = tpu.memref_squeeze %dma_wait3A_187 : memref<1x128x64xf32, #tpu.memory_space<vmem>> -> memref<128x64xf32, #tpu.memory_space<vmem>>
      %dma_wait3A_189 = arith.constant 0 : i32
      %dma_wait3A_190 = tpu.memref_slice %arg5[%add3A_183, %dma_wait3A_189] : memref<64x128xi32, #tpu.memory_space<vmem>> -> memref<1x128xi32, #tpu.memory_space<vmem>>
      %dma_wait3A_191 = tpu.memref_squeeze %dma_wait3A_190 : memref<1x128xi32, #tpu.memory_space<vmem>> -> memref<128xi32, #tpu.memory_space<vmem>>
      %dma_wait3A_192 = arith.constant 0 : i32
      %dma_wait3A_193 = arith.constant 0 : i32
      %dma_wait3A_194 = tpu.memref_slice %arg2[%dma_wait3A_192, %dma_wait3A_193] : memref<100000x64xf32, #tpu.memory_space<hbm>> -> memref<100000x64xf32, #tpu.memory_space<hbm>>
      tpu.wait_indirect_dma semaphore(%arg8 : memref<!tpu.dma_semaphore, #tpu.memory_space<semaphore_mem>>) src(%dma_wait3A_194 : memref<100000x64xf32, #tpu.memory_space<hbm>>) dst(%dma_wait3A_188 : memref<128x64xf32, #tpu.memory_space<vmem>>)
      %jit3A_195 = arith.constant 2 : i32
      %div3A_196 = arith.divsi %add3A_183, %jit3A_195 : i32
      %sign3A_197 = arith.constant 0 : i32
      %sign3A_198 = arith.cmpi sgt, %add3A_183, %sign3A_197 : i32
      %sign3A_199 = arith.extui %sign3A_198 : i1 to i32
      %sign3A_200 = arith.constant 0 : i32
      %sign3A_201 = arith.cmpi slt, %add3A_183, %sign3A_200 : i32
      %sign3A_202 = arith.extui %sign3A_201 : i1 to i32
      %sign3A_203 = arith.subi %sign3A_199, %sign3A_202 : i32
      %sign3A_204 = arith.constant 0 : i32
      %sign3A_205 = arith.cmpi sgt, %jit3A_195, %sign3A_204 : i32
      %sign3A_206 = arith.extui %sign3A_205 : i1 to i32
      %sign3A_207 = arith.constant 0 : i32
      %sign3A_208 = arith.cmpi slt, %jit3A_195, %sign3A_207 : i32
      %sign3A_209 = arith.extui %sign3A_208 : i1 to i32
      %sign3A_210 = arith.subi %sign3A_206, %sign3A_209 : i32
      %ne3A_211 = arith.cmpi ne, %sign3A_203, %sign3A_210 : i32
      %rem3A_212 = arith.remsi %add3A_183, %jit3A_195 : i32
      %ne3A_213 = arith.constant 0 : i32
      %ne3A_214 = arith.cmpi ne, %rem3A_212, %ne3A_213 : i32
      %and3A_215 = arith.andi %ne3A_211, %ne3A_214 : i1
      %sub3A_216 = arith.constant 1 : i32
      %sub3A_217 = arith.subi %div3A_196, %sub3A_216 : i32
      %select_n3A_218 = arith.select %and3A_215, %sub3A_217, %div3A_196 : i32
      %mul3A_219 = arith.constant 4096 : i32
      %mul3A_220 = arith.muli %select_n3A_218, %mul3A_219 : i32
      %add3A_221 = arith.addi %mul3A_220, %mul3A_2 : i32
      %jit3A_222 = arith.constant 2 : i32
      %eq3A_223 = arith.constant 0 : i32
      %eq3A_224 = arith.cmpi eq, %jit3A_222, %eq3A_223 : i32
      %jit3A_225 = arith.constant 1 : i32
      %select_n3A_226 = arith.select %eq3A_224, %jit3A_225, %jit3A_222 : i32
      %rem3A_227 = arith.remsi %add3A_183, %select_n3A_226 : i32
      %ne3A_228 = arith.constant 0 : i32
      %ne3A_229 = arith.cmpi ne, %rem3A_227, %ne3A_228 : i32
      %lt3A_230 = arith.constant 0 : i32
      %lt3A_231 = arith.cmpi slt, %rem3A_227, %lt3A_230 : i32
      %lt3A_232 = arith.constant 0 : i32
      %lt3A_233 = arith.cmpi slt, %select_n3A_226, %lt3A_232 : i32
      %ne3A_234 = arith.xori %lt3A_231, %lt3A_233 : i1
      %and3A_235 = arith.andi %ne3A_234, %ne3A_229 : i1
      %add3A_236 = arith.addi %rem3A_227, %select_n3A_226 : i32
      %select_n3A_237 = arith.select %and3A_235, %add3A_236, %rem3A_227 : i32
      %mul3A_238 = arith.constant 64 : i32
      %mul3A_239 = arith.muli %select_n3A_237, %mul3A_238 : i32
      %run_scoped3A_240 = arith.constant 1 : i32
      "tpu.region"() ({
        %run_scoped3A_403 = tpu.sem_alloc : memref<!tpu.dma_semaphore, #tpu.memory_space<semaphore_mem>>
        %dma_start3A_404 = arith.constant 0 : i32
        %dma_start3A_405 = arith.constant 0 : i32
        %dma_start3A_406 = tpu.memref_slice %arg6[%run_scoped3A_240, %dma_start3A_404, %dma_start3A_405] : memref<4x128x64xf32, #tpu.memory_space<vmem>> -> memref<1x128x64xf32, #tpu.memory_space<vmem>>
        %dma_start3A_407 = tpu.memref_squeeze %dma_start3A_406 : memref<1x128x64xf32, #tpu.memory_space<vmem>> -> memref<128x64xf32, #tpu.memory_space<vmem>>
        %dma_start3A_408 = tpu.memref_slice %arg4[%add3A_221, %mul3A_239] : memref<131072x128xf32, #tpu.memory_space<hbm>> -> memref<128x64xf32, #tpu.memory_space<hbm>>
        %dma_start3A_409 = tpu.memref_slice %arg4[%add3A_221, %mul3A_239] : memref<131072x128xf32, #tpu.memory_space<hbm>> -> memref<128x64xf32, #tpu.memory_space<hbm>>
        %dma_start3A_410 = arith.constant 0 : i32
        %dma_start3A_411 = arith.constant 0 : i32
        %dma_start3A_412 = tpu.memref_slice %arg6[%run_scoped3A_240, %dma_start3A_410, %dma_start3A_411] : memref<4x128x64xf32, #tpu.memory_space<vmem>> -> memref<1x128x64xf32, #tpu.memory_space<vmem>>
        %dma_start3A_413 = tpu.memref_squeeze %dma_start3A_412 : memref<1x128x64xf32, #tpu.memory_space<vmem>> -> memref<128x64xf32, #tpu.memory_space<vmem>>
        tpu.enqueue_dma source(%dma_start3A_413 : memref<128x64xf32, #tpu.memory_space<vmem>>) target(%dma_start3A_409 : memref<128x64xf32, #tpu.memory_space<hbm>>) target_semaphore(%run_scoped3A_403 : memref<!tpu.dma_semaphore, #tpu.memory_space<semaphore_mem>>)
        %dma_wait3A_414 = arith.constant 0 : i32
        %dma_wait3A_415 = arith.constant 0 : i32
        %dma_wait3A_416 = tpu.memref_slice %arg6[%run_scoped3A_240, %dma_wait3A_414, %dma_wait3A_415] : memref<4x128x64xf32, #tpu.memory_space<vmem>> -> memref<1x128x64xf32, #tpu.memory_space<vmem>>
        %dma_wait3A_417 = tpu.memref_squeeze %dma_wait3A_416 : memref<1x128x64xf32, #tpu.memory_space<vmem>> -> memref<128x64xf32, #tpu.memory_space<vmem>>
        %dma_wait3A_418 = tpu.memref_slice %arg4[%add3A_221, %mul3A_239] : memref<131072x128xf32, #tpu.memory_space<hbm>> -> memref<128x64xf32, #tpu.memory_space<hbm>>
        %dma_wait3A_419 = tpu.memref_slice %arg4[%add3A_221, %mul3A_239] : memref<131072x128xf32, #tpu.memory_space<hbm>> -> memref<128x64xf32, #tpu.memory_space<hbm>>
        %dma_wait3A_420 = arith.constant 0 : i32
        %dma_wait3A_421 = arith.constant 0 : i32
        %dma_wait3A_422 = tpu.memref_slice %arg6[%run_scoped3A_240, %dma_wait3A_420, %dma_wait3A_421] : memref<4x128x64xf32, #tpu.memory_space<vmem>> -> memref<1x128x64xf32, #tpu.memory_space<vmem>>
        %dma_wait3A_423 = tpu.memref_squeeze %dma_wait3A_422 : memref<1x128x64xf32, #tpu.memory_space<vmem>> -> memref<128x64xf32, #tpu.memory_space<vmem>>
        tpu.wait_dma2 semaphore(%run_scoped3A_403 : memref<!tpu.dma_semaphore, #tpu.memory_space<semaphore_mem>>) src(%dma_wait3A_423 : memref<128x64xf32, #tpu.memory_space<vmem>>) dst(%dma_wait3A_419 : memref<128x64xf32, #tpu.memory_space<hbm>>)
        tpu.yield
      }) : () -> ()
      %add3A_241 = arith.constant 4 : i32
      %add3A_242 = arith.addi %add3A_183, %add3A_241 : i32
      %dma_start3A_243 = arith.constant 1 : i32
      %dma_start3A_244 = arith.constant 0 : i32
      %dma_start3A_245 = arith.constant 0 : i32
      %dma_start3A_246 = tpu.memref_slice %arg6[%dma_start3A_243, %dma_start3A_244, %dma_start3A_245] : memref<4x128x64xf32, #tpu.memory_space<vmem>> -> memref<1x128x64xf32, #tpu.memory_space<vmem>>
      %dma_start3A_247 = tpu.memref_squeeze %dma_start3A_246 : memref<1x128x64xf32, #tpu.memory_space<vmem>> -> memref<128x64xf32, #tpu.memory_space<vmem>>
      %dma_start3A_248 = arith.constant 0 : i32
      %dma_start3A_249 = tpu.memref_slice %arg5[%add3A_242, %dma_start3A_248] : memref<64x128xi32, #tpu.memory_space<vmem>> -> memref<1x128xi32, #tpu.memory_space<vmem>>
      %dma_start3A_250 = tpu.memref_squeeze %dma_start3A_249 : memref<1x128xi32, #tpu.memory_space<vmem>> -> memref<128xi32, #tpu.memory_space<vmem>>
      %dma_start3A_251 = arith.constant 0 : i32
      %dma_start3A_252 = arith.constant 0 : i32
      %dma_start3A_253 = tpu.memref_slice %arg2[%dma_start3A_251, %dma_start3A_252] : memref<100000x64xf32, #tpu.memory_space<hbm>> -> memref<100000x64xf32, #tpu.memory_space<hbm>>
      tpu.enqueue_indirect_dma source(%dma_start3A_253 : memref<100000x64xf32, #tpu.memory_space<hbm>>) target(%dma_start3A_247 : memref<128x64xf32, #tpu.memory_space<vmem>>) offsets(%dma_start3A_250 : memref<128xi32, #tpu.memory_space<vmem>>) semaphore(%arg8 : memref<!tpu.dma_semaphore, #tpu.memory_space<semaphore_mem>>)
      %mul3A_254 = arith.constant 4 : i32
      %mul3A_255 = arith.muli %scan3A_114, %mul3A_254 : i32
      %add3A_256 = arith.constant 2 : i32
      %add3A_257 = arith.addi %mul3A_255, %add3A_256 : i32
      %dma_wait3A_258 = arith.constant 2 : i32
      %dma_wait3A_259 = arith.constant 0 : i32
      %dma_wait3A_260 = arith.constant 0 : i32
      %dma_wait3A_261 = tpu.memref_slice %arg6[%dma_wait3A_258, %dma_wait3A_259, %dma_wait3A_260] : memref<4x128x64xf32, #tpu.memory_space<vmem>> -> memref<1x128x64xf32, #tpu.memory_space<vmem>>
      %dma_wait3A_262 = tpu.memref_squeeze %dma_wait3A_261 : memref<1x128x64xf32, #tpu.memory_space<vmem>> -> memref<128x64xf32, #tpu.memory_space<vmem>>
      %dma_wait3A_263 = arith.constant 0 : i32
      %dma_wait3A_264 = tpu.memref_slice %arg5[%add3A_257, %dma_wait3A_263] : memref<64x128xi32, #tpu.memory_space<vmem>> -> memref<1x128xi32, #tpu.memory_space<vmem>>
      %dma_wait3A_265 = tpu.memref_squeeze %dma_wait3A_264 : memref<1x128xi32, #tpu.memory_space<vmem>> -> memref<128xi32, #tpu.memory_space<vmem>>
      %dma_wait3A_266 = arith.constant 0 : i32
      %dma_wait3A_267 = arith.constant 0 : i32
      %dma_wait3A_268 = tpu.memref_slice %arg2[%dma_wait3A_266, %dma_wait3A_267] : memref<100000x64xf32, #tpu.memory_space<hbm>> -> memref<100000x64xf32, #tpu.memory_space<hbm>>
      tpu.wait_indirect_dma semaphore(%arg9 : memref<!tpu.dma_semaphore, #tpu.memory_space<semaphore_mem>>) src(%dma_wait3A_268 : memref<100000x64xf32, #tpu.memory_space<hbm>>) dst(%dma_wait3A_262 : memref<128x64xf32, #tpu.memory_space<vmem>>)
      %jit3A_269 = arith.constant 2 : i32
      %div3A_270 = arith.divsi %add3A_257, %jit3A_269 : i32
      %sign3A_271 = arith.constant 0 : i32
      %sign3A_272 = arith.cmpi sgt, %add3A_257, %sign3A_271 : i32
      %sign3A_273 = arith.extui %sign3A_272 : i1 to i32
      %sign3A_274 = arith.constant 0 : i32
      %sign3A_275 = arith.cmpi slt, %add3A_257, %sign3A_274 : i32
      %sign3A_276 = arith.extui %sign3A_275 : i1 to i32
      %sign3A_277 = arith.subi %sign3A_273, %sign3A_276 : i32
      %sign3A_278 = arith.constant 0 : i32
      %sign3A_279 = arith.cmpi sgt, %jit3A_269, %sign3A_278 : i32
      %sign3A_280 = arith.extui %sign3A_279 : i1 to i32
      %sign3A_281 = arith.constant 0 : i32
      %sign3A_282 = arith.cmpi slt, %jit3A_269, %sign3A_281 : i32
      %sign3A_283 = arith.extui %sign3A_282 : i1 to i32
      %sign3A_284 = arith.subi %sign3A_280, %sign3A_283 : i32
      %ne3A_285 = arith.cmpi ne, %sign3A_277, %sign3A_284 : i32
      %rem3A_286 = arith.remsi %add3A_257, %jit3A_269 : i32
      %ne3A_287 = arith.constant 0 : i32
      %ne3A_288 = arith.cmpi ne, %rem3A_286, %ne3A_287 : i32
      %and3A_289 = arith.andi %ne3A_285, %ne3A_288 : i1
      %sub3A_290 = arith.constant 1 : i32
      %sub3A_291 = arith.subi %div3A_270, %sub3A_290 : i32
      %select_n3A_292 = arith.select %and3A_289, %sub3A_291, %div3A_270 : i32
      %mul3A_293 = arith.constant 4096 : i32
      %mul3A_294 = arith.muli %select_n3A_292, %mul3A_293 : i32
      %add3A_295 = arith.addi %mul3A_294, %mul3A_2 : i32
      %jit3A_296 = arith.constant 2 : i32
      %eq3A_297 = arith.constant 0 : i32
      %eq3A_298 = arith.cmpi eq, %jit3A_296, %eq3A_297 : i32
      %jit3A_299 = arith.constant 1 : i32
      %select_n3A_300 = arith.select %eq3A_298, %jit3A_299, %jit3A_296 : i32
      %rem3A_301 = arith.remsi %add3A_257, %select_n3A_300 : i32
      %ne3A_302 = arith.constant 0 : i32
      %ne3A_303 = arith.cmpi ne, %rem3A_301, %ne3A_302 : i32
      %lt3A_304 = arith.constant 0 : i32
      %lt3A_305 = arith.cmpi slt, %rem3A_301, %lt3A_304 : i32
      %lt3A_306 = arith.constant 0 : i32
      %lt3A_307 = arith.cmpi slt, %select_n3A_300, %lt3A_306 : i32
      %ne3A_308 = arith.xori %lt3A_305, %lt3A_307 : i1
      %and3A_309 = arith.andi %ne3A_308, %ne3A_303 : i1
      %add3A_310 = arith.addi %rem3A_301, %select_n3A_300 : i32
      %select_n3A_311 = arith.select %and3A_309, %add3A_310, %rem3A_301 : i32
      %mul3A_312 = arith.constant 64 : i32
      %mul3A_313 = arith.muli %select_n3A_311, %mul3A_312 : i32
      %run_scoped3A_314 = arith.constant 2 : i32
      "tpu.region"() ({
        %run_scoped3A_403 = tpu.sem_alloc : memref<!tpu.dma_semaphore, #tpu.memory_space<semaphore_mem>>
        %dma_start3A_404 = arith.constant 0 : i32
        %dma_start3A_405 = arith.constant 0 : i32
        %dma_start3A_406 = tpu.memref_slice %arg6[%run_scoped3A_314, %dma_start3A_404, %dma_start3A_405] : memref<4x128x64xf32, #tpu.memory_space<vmem>> -> memref<1x128x64xf32, #tpu.memory_space<vmem>>
        %dma_start3A_407 = tpu.memref_squeeze %dma_start3A_406 : memref<1x128x64xf32, #tpu.memory_space<vmem>> -> memref<128x64xf32, #tpu.memory_space<vmem>>
        %dma_start3A_408 = tpu.memref_slice %arg4[%add3A_295, %mul3A_313] : memref<131072x128xf32, #tpu.memory_space<hbm>> -> memref<128x64xf32, #tpu.memory_space<hbm>>
        %dma_start3A_409 = tpu.memref_slice %arg4[%add3A_295, %mul3A_313] : memref<131072x128xf32, #tpu.memory_space<hbm>> -> memref<128x64xf32, #tpu.memory_space<hbm>>
        %dma_start3A_410 = arith.constant 0 : i32
        %dma_start3A_411 = arith.constant 0 : i32
        %dma_start3A_412 = tpu.memref_slice %arg6[%run_scoped3A_314, %dma_start3A_410, %dma_start3A_411] : memref<4x128x64xf32, #tpu.memory_space<vmem>> -> memref<1x128x64xf32, #tpu.memory_space<vmem>>
        %dma_start3A_413 = tpu.memref_squeeze %dma_start3A_412 : memref<1x128x64xf32, #tpu.memory_space<vmem>> -> memref<128x64xf32, #tpu.memory_space<vmem>>
        tpu.enqueue_dma source(%dma_start3A_413 : memref<128x64xf32, #tpu.memory_space<vmem>>) target(%dma_start3A_409 : memref<128x64xf32, #tpu.memory_space<hbm>>) target_semaphore(%run_scoped3A_403 : memref<!tpu.dma_semaphore, #tpu.memory_space<semaphore_mem>>)
        %dma_wait3A_414 = arith.constant 0 : i32
        %dma_wait3A_415 = arith.constant 0 : i32
        %dma_wait3A_416 = tpu.memref_slice %arg6[%run_scoped3A_314, %dma_wait3A_414, %dma_wait3A_415] : memref<4x128x64xf32, #tpu.memory_space<vmem>> -> memref<1x128x64xf32, #tpu.memory_space<vmem>>
        %dma_wait3A_417 = tpu.memref_squeeze %dma_wait3A_416 : memref<1x128x64xf32, #tpu.memory_space<vmem>> -> memref<128x64xf32, #tpu.memory_space<vmem>>
        %dma_wait3A_418 = tpu.memref_slice %arg4[%add3A_295, %mul3A_313] : memref<131072x128xf32, #tpu.memory_space<hbm>> -> memref<128x64xf32, #tpu.memory_space<hbm>>
        %dma_wait3A_419 = tpu.memref_slice %arg4[%add3A_295, %mul3A_313] : memref<131072x128xf32, #tpu.memory_space<hbm>> -> memref<128x64xf32, #tpu.memory_space<hbm>>
        %dma_wait3A_420 = arith.constant 0 : i32
        %dma_wait3A_421 = arith.constant 0 : i32
        %dma_wait3A_422 = tpu.memref_slice %arg6[%run_scoped3A_314, %dma_wait3A_420, %dma_wait3A_421] : memref<4x128x64xf32, #tpu.memory_space<vmem>> -> memref<1x128x64xf32, #tpu.memory_space<vmem>>
        %dma_wait3A_423 = tpu.memref_squeeze %dma_wait3A_422 : memref<1x128x64xf32, #tpu.memory_space<vmem>> -> memref<128x64xf32, #tpu.memory_space<vmem>>
        tpu.wait_dma2 semaphore(%run_scoped3A_403 : memref<!tpu.dma_semaphore, #tpu.memory_space<semaphore_mem>>) src(%dma_wait3A_423 : memref<128x64xf32, #tpu.memory_space<vmem>>) dst(%dma_wait3A_419 : memref<128x64xf32, #tpu.memory_space<hbm>>)
        tpu.yield
      }) : () -> ()
      %add3A_315 = arith.constant 4 : i32
      %add3A_316 = arith.addi %add3A_257, %add3A_315 : i32
      %dma_start3A_317 = arith.constant 2 : i32
      %dma_start3A_318 = arith.constant 0 : i32
      %dma_start3A_319 = arith.constant 0 : i32
      %dma_start3A_320 = tpu.memref_slice %arg6[%dma_start3A_317, %dma_start3A_318, %dma_start3A_319] : memref<4x128x64xf32, #tpu.memory_space<vmem>> -> memref<1x128x64xf32, #tpu.memory_space<vmem>>
      %dma_start3A_321 = tpu.memref_squeeze %dma_start3A_320 : memref<1x128x64xf32, #tpu.memory_space<vmem>> -> memref<128x64xf32, #tpu.memory_space<vmem>>
      %dma_start3A_322 = arith.constant 0 : i32
      %dma_start3A_323 = tpu.memref_slice %arg5[%add3A_316, %dma_start3A_322] : memref<64x128xi32, #tpu.memory_space<vmem>> -> memref<1x128xi32, #tpu.memory_space<vmem>>
      %dma_start3A_324 = tpu.memref_squeeze %dma_start3A_323 : memref<1x128xi32, #tpu.memory_space<vmem>> -> memref<128xi32, #tpu.memory_space<vmem>>
      %dma_start3A_325 = arith.constant 0 : i32
      %dma_start3A_326 = arith.constant 0 : i32
      %dma_start3A_327 = tpu.memref_slice %arg2[%dma_start3A_325, %dma_start3A_326] : memref<100000x64xf32, #tpu.memory_space<hbm>> -> memref<100000x64xf32, #tpu.memory_space<hbm>>
      tpu.enqueue_indirect_dma source(%dma_start3A_327 : memref<100000x64xf32, #tpu.memory_space<hbm>>) target(%dma_start3A_321 : memref<128x64xf32, #tpu.memory_space<vmem>>) offsets(%dma_start3A_324 : memref<128xi32, #tpu.memory_space<vmem>>) semaphore(%arg9 : memref<!tpu.dma_semaphore, #tpu.memory_space<semaphore_mem>>)
      %mul3A_328 = arith.constant 4 : i32
      %mul3A_329 = arith.muli %scan3A_114, %mul3A_328 : i32
      %add3A_330 = arith.constant 3 : i32
      %add3A_331 = arith.addi %mul3A_329, %add3A_330 : i32
      %dma_wait3A_332 = arith.constant 3 : i32
      %dma_wait3A_333 = arith.constant 0 : i32
      %dma_wait3A_334 = arith.constant 0 : i32
      %dma_wait3A_335 = tpu.memref_slice %arg6[%dma_wait3A_332, %dma_wait3A_333, %dma_wait3A_334] : memref<4x128x64xf32, #tpu.memory_space<vmem>> -> memref<1x128x64xf32, #tpu.memory_space<vmem>>
      %dma_wait3A_336 = tpu.memref_squeeze %dma_wait3A_335 : memref<1x128x64xf32, #tpu.memory_space<vmem>> -> memref<128x64xf32, #tpu.memory_space<vmem>>
      %dma_wait3A_337 = arith.constant 0 : i32
      %dma_wait3A_338 = tpu.memref_slice %arg5[%add3A_331, %dma_wait3A_337] : memref<64x128xi32, #tpu.memory_space<vmem>> -> memref<1x128xi32, #tpu.memory_space<vmem>>
      %dma_wait3A_339 = tpu.memref_squeeze %dma_wait3A_338 : memref<1x128xi32, #tpu.memory_space<vmem>> -> memref<128xi32, #tpu.memory_space<vmem>>
      %dma_wait3A_340 = arith.constant 0 : i32
      %dma_wait3A_341 = arith.constant 0 : i32
      %dma_wait3A_342 = tpu.memref_slice %arg2[%dma_wait3A_340, %dma_wait3A_341] : memref<100000x64xf32, #tpu.memory_space<hbm>> -> memref<100000x64xf32, #tpu.memory_space<hbm>>
      tpu.wait_indirect_dma semaphore(%arg10 : memref<!tpu.dma_semaphore, #tpu.memory_space<semaphore_mem>>) src(%dma_wait3A_342 : memref<100000x64xf32, #tpu.memory_space<hbm>>) dst(%dma_wait3A_336 : memref<128x64xf32, #tpu.memory_space<vmem>>)
      %jit3A_343 = arith.constant 2 : i32
      %div3A_344 = arith.divsi %add3A_331, %jit3A_343 : i32
      %sign3A_345 = arith.constant 0 : i32
      %sign3A_346 = arith.cmpi sgt, %add3A_331, %sign3A_345 : i32
      %sign3A_347 = arith.extui %sign3A_346 : i1 to i32
      %sign3A_348 = arith.constant 0 : i32
      %sign3A_349 = arith.cmpi slt, %add3A_331, %sign3A_348 : i32
      %sign3A_350 = arith.extui %sign3A_349 : i1 to i32
      %sign3A_351 = arith.subi %sign3A_347, %sign3A_350 : i32
      %sign3A_352 = arith.constant 0 : i32
      %sign3A_353 = arith.cmpi sgt, %jit3A_343, %sign3A_352 : i32
      %sign3A_354 = arith.extui %sign3A_353 : i1 to i32
      %sign3A_355 = arith.constant 0 : i32
      %sign3A_356 = arith.cmpi slt, %jit3A_343, %sign3A_355 : i32
      %sign3A_357 = arith.extui %sign3A_356 : i1 to i32
      %sign3A_358 = arith.subi %sign3A_354, %sign3A_357 : i32
      %ne3A_359 = arith.cmpi ne, %sign3A_351, %sign3A_358 : i32
      %rem3A_360 = arith.remsi %add3A_331, %jit3A_343 : i32
      %ne3A_361 = arith.constant 0 : i32
      %ne3A_362 = arith.cmpi ne, %rem3A_360, %ne3A_361 : i32
      %and3A_363 = arith.andi %ne3A_359, %ne3A_362 : i1
      %sub3A_364 = arith.constant 1 : i32
      %sub3A_365 = arith.subi %div3A_344, %sub3A_364 : i32
      %select_n3A_366 = arith.select %and3A_363, %sub3A_365, %div3A_344 : i32
      %mul3A_367 = arith.constant 4096 : i32
      %mul3A_368 = arith.muli %select_n3A_366, %mul3A_367 : i32
      %add3A_369 = arith.addi %mul3A_368, %mul3A_2 : i32
      %jit3A_370 = arith.constant 2 : i32
      %eq3A_371 = arith.constant 0 : i32
      %eq3A_372 = arith.cmpi eq, %jit3A_370, %eq3A_371 : i32
      %jit3A_373 = arith.constant 1 : i32
      %select_n3A_374 = arith.select %eq3A_372, %jit3A_373, %jit3A_370 : i32
      %rem3A_375 = arith.remsi %add3A_331, %select_n3A_374 : i32
      %ne3A_376 = arith.constant 0 : i32
      %ne3A_377 = arith.cmpi ne, %rem3A_375, %ne3A_376 : i32
      %lt3A_378 = arith.constant 0 : i32
      %lt3A_379 = arith.cmpi slt, %rem3A_375, %lt3A_378 : i32
      %lt3A_380 = arith.constant 0 : i32
      %lt3A_381 = arith.cmpi slt, %select_n3A_374, %lt3A_380 : i32
      %ne3A_382 = arith.xori %lt3A_379, %lt3A_381 : i1
      %and3A_383 = arith.andi %ne3A_382, %ne3A_377 : i1
      %add3A_384 = arith.addi %rem3A_375, %select_n3A_374 : i32
      %select_n3A_385 = arith.select %and3A_383, %add3A_384, %rem3A_375 : i32
      %mul3A_386 = arith.constant 64 : i32
      %mul3A_387 = arith.muli %select_n3A_385, %mul3A_386 : i32
      %run_scoped3A_388 = arith.constant 3 : i32
      "tpu.region"() ({
        %run_scoped3A_403 = tpu.sem_alloc : memref<!tpu.dma_semaphore, #tpu.memory_space<semaphore_mem>>
        %dma_start3A_404 = arith.constant 0 : i32
        %dma_start3A_405 = arith.constant 0 : i32
        %dma_start3A_406 = tpu.memref_slice %arg6[%run_scoped3A_388, %dma_start3A_404, %dma_start3A_405] : memref<4x128x64xf32, #tpu.memory_space<vmem>> -> memref<1x128x64xf32, #tpu.memory_space<vmem>>
        %dma_start3A_407 = tpu.memref_squeeze %dma_start3A_406 : memref<1x128x64xf32, #tpu.memory_space<vmem>> -> memref<128x64xf32, #tpu.memory_space<vmem>>
        %dma_start3A_408 = tpu.memref_slice %arg4[%add3A_369, %mul3A_387] : memref<131072x128xf32, #tpu.memory_space<hbm>> -> memref<128x64xf32, #tpu.memory_space<hbm>>
        %dma_start3A_409 = tpu.memref_slice %arg4[%add3A_369, %mul3A_387] : memref<131072x128xf32, #tpu.memory_space<hbm>> -> memref<128x64xf32, #tpu.memory_space<hbm>>
        %dma_start3A_410 = arith.constant 0 : i32
        %dma_start3A_411 = arith.constant 0 : i32
        %dma_start3A_412 = tpu.memref_slice %arg6[%run_scoped3A_388, %dma_start3A_410, %dma_start3A_411] : memref<4x128x64xf32, #tpu.memory_space<vmem>> -> memref<1x128x64xf32, #tpu.memory_space<vmem>>
        %dma_start3A_413 = tpu.memref_squeeze %dma_start3A_412 : memref<1x128x64xf32, #tpu.memory_space<vmem>> -> memref<128x64xf32, #tpu.memory_space<vmem>>
        tpu.enqueue_dma source(%dma_start3A_413 : memref<128x64xf32, #tpu.memory_space<vmem>>) target(%dma_start3A_409 : memref<128x64xf32, #tpu.memory_space<hbm>>) target_semaphore(%run_scoped3A_403 : memref<!tpu.dma_semaphore, #tpu.memory_space<semaphore_mem>>)
        %dma_wait3A_414 = arith.constant 0 : i32
        %dma_wait3A_415 = arith.constant 0 : i32
        %dma_wait3A_416 = tpu.memref_slice %arg6[%run_scoped3A_388, %dma_wait3A_414, %dma_wait3A_415] : memref<4x128x64xf32, #tpu.memory_space<vmem>> -> memref<1x128x64xf32, #tpu.memory_space<vmem>>
        %dma_wait3A_417 = tpu.memref_squeeze %dma_wait3A_416 : memref<1x128x64xf32, #tpu.memory_space<vmem>> -> memref<128x64xf32, #tpu.memory_space<vmem>>
        %dma_wait3A_418 = tpu.memref_slice %arg4[%add3A_369, %mul3A_387] : memref<131072x128xf32, #tpu.memory_space<hbm>> -> memref<128x64xf32, #tpu.memory_space<hbm>>
        %dma_wait3A_419 = tpu.memref_slice %arg4[%add3A_369, %mul3A_387] : memref<131072x128xf32, #tpu.memory_space<hbm>> -> memref<128x64xf32, #tpu.memory_space<hbm>>
        %dma_wait3A_420 = arith.constant 0 : i32
        %dma_wait3A_421 = arith.constant 0 : i32
        %dma_wait3A_422 = tpu.memref_slice %arg6[%run_scoped3A_388, %dma_wait3A_420, %dma_wait3A_421] : memref<4x128x64xf32, #tpu.memory_space<vmem>> -> memref<1x128x64xf32, #tpu.memory_space<vmem>>
        %dma_wait3A_423 = tpu.memref_squeeze %dma_wait3A_422 : memref<1x128x64xf32, #tpu.memory_space<vmem>> -> memref<128x64xf32, #tpu.memory_space<vmem>>
        tpu.wait_dma2 semaphore(%run_scoped3A_403 : memref<!tpu.dma_semaphore, #tpu.memory_space<semaphore_mem>>) src(%dma_wait3A_423 : memref<128x64xf32, #tpu.memory_space<vmem>>) dst(%dma_wait3A_419 : memref<128x64xf32, #tpu.memory_space<hbm>>)
        tpu.yield
      }) : () -> ()
      %add3A_389 = arith.constant 4 : i32
      %add3A_390 = arith.addi %add3A_331, %add3A_389 : i32
      %dma_start3A_391 = arith.constant 3 : i32
      %dma_start3A_392 = arith.constant 0 : i32
      %dma_start3A_393 = arith.constant 0 : i32
      %dma_start3A_394 = tpu.memref_slice %arg6[%dma_start3A_391, %dma_start3A_392, %dma_start3A_393] : memref<4x128x64xf32, #tpu.memory_space<vmem>> -> memref<1x128x64xf32, #tpu.memory_space<vmem>>
      %dma_start3A_395 = tpu.memref_squeeze %dma_start3A_394 : memref<1x128x64xf32, #tpu.memory_space<vmem>> -> memref<128x64xf32, #tpu.memory_space<vmem>>
      %dma_start3A_396 = arith.constant 0 : i32
      %dma_start3A_397 = tpu.memref_slice %arg5[%add3A_390, %dma_start3A_396] : memref<64x128xi32, #tpu.memory_space<vmem>> -> memref<1x128xi32, #tpu.memory_space<vmem>>
      %dma_start3A_398 = tpu.memref_squeeze %dma_start3A_397 : memref<1x128xi32, #tpu.memory_space<vmem>> -> memref<128xi32, #tpu.memory_space<vmem>>
      %dma_start3A_399 = arith.constant 0 : i32
      %dma_start3A_400 = arith.constant 0 : i32
      %dma_start3A_401 = tpu.memref_slice %arg2[%dma_start3A_399, %dma_start3A_400] : memref<100000x64xf32, #tpu.memory_space<hbm>> -> memref<100000x64xf32, #tpu.memory_space<hbm>>
      tpu.enqueue_indirect_dma source(%dma_start3A_401 : memref<100000x64xf32, #tpu.memory_space<hbm>>) target(%dma_start3A_395 : memref<128x64xf32, #tpu.memory_space<vmem>>) offsets(%dma_start3A_398 : memref<128xi32, #tpu.memory_space<vmem>>) semaphore(%arg10 : memref<!tpu.dma_semaphore, #tpu.memory_space<semaphore_mem>>)
      %scan3A_402 = arith.constant 0 : i32
      scf.yield %scan3A_402 : i32
    }
    %scan3A_55 = arith.constant 15 : i32
    %dma_wait3A = arith.constant 60 : i32
    %dma_wait3A_56 = arith.constant 0 : i32
    %dma_wait3A_57 = arith.constant 0 : i32
    %dma_wait3A_58 = arith.constant 0 : i32
    %dma_wait3A_59 = tpu.memref_slice %arg6[%dma_wait3A_56, %dma_wait3A_57, %dma_wait3A_58] : memref<4x128x64xf32, #tpu.memory_space<vmem>> -> memref<1x128x64xf32, #tpu.memory_space<vmem>>
    %dma_wait3A_60 = tpu.memref_squeeze %dma_wait3A_59 : memref<1x128x64xf32, #tpu.memory_space<vmem>> -> memref<128x64xf32, #tpu.memory_space<vmem>>
    %dma_wait3A_61 = arith.constant 0 : i32
    %dma_wait3A_62 = tpu.memref_slice %arg5[%dma_wait3A, %dma_wait3A_61] : memref<64x128xi32, #tpu.memory_space<vmem>> -> memref<1x128xi32, #tpu.memory_space<vmem>>
    %dma_wait3A_63 = tpu.memref_squeeze %dma_wait3A_62 : memref<1x128xi32, #tpu.memory_space<vmem>> -> memref<128xi32, #tpu.memory_space<vmem>>
    %dma_wait3A_64 = arith.constant 0 : i32
    %dma_wait3A_65 = arith.constant 0 : i32
    %dma_wait3A_66 = tpu.memref_slice %arg2[%dma_wait3A_64, %dma_wait3A_65] : memref<100000x64xf32, #tpu.memory_space<hbm>> -> memref<100000x64xf32, #tpu.memory_space<hbm>>
    tpu.wait_indirect_dma semaphore(%arg7 : memref<!tpu.dma_semaphore, #tpu.memory_space<semaphore_mem>>) src(%dma_wait3A_66 : memref<100000x64xf32, #tpu.memory_space<hbm>>) dst(%dma_wait3A_60 : memref<128x64xf32, #tpu.memory_space<vmem>>)
    %add3A_67 = arith.constant 122880 : i32
    %add3A_68 = arith.addi %add3A_67, %mul3A_2 : i32
    %run_scoped3A = arith.constant 0 : i32
    "tpu.region"() ({
      %run_scoped3A_114 = tpu.sem_alloc : memref<!tpu.dma_semaphore, #tpu.memory_space<semaphore_mem>>
      %dma_start3A_115 = arith.constant 0 : i32
      %dma_start3A_116 = arith.constant 0 : i32
      %dma_start3A_117 = tpu.memref_slice %arg6[%run_scoped3A, %dma_start3A_115, %dma_start3A_116] : memref<4x128x64xf32, #tpu.memory_space<vmem>> -> memref<1x128x64xf32, #tpu.memory_space<vmem>>
      %dma_start3A_118 = tpu.memref_squeeze %dma_start3A_117 : memref<1x128x64xf32, #tpu.memory_space<vmem>> -> memref<128x64xf32, #tpu.memory_space<vmem>>
      %dma_start3A_119 = arith.constant 0 : i32
      %dma_start3A_120 = tpu.memref_slice %arg4[%add3A_68, %dma_start3A_119] : memref<131072x128xf32, #tpu.memory_space<hbm>> -> memref<128x64xf32, #tpu.memory_space<hbm>>
      %dma_start3A_121 = arith.constant 0 : i32
      %dma_start3A_122 = tpu.memref_slice %arg4[%add3A_68, %dma_start3A_121] : memref<131072x128xf32, #tpu.memory_space<hbm>> -> memref<128x64xf32, #tpu.memory_space<hbm>>
      %dma_start3A_123 = arith.constant 0 : i32
      %dma_start3A_124 = arith.constant 0 : i32
      %dma_start3A_125 = tpu.memref_slice %arg6[%run_scoped3A, %dma_start3A_123, %dma_start3A_124] : memref<4x128x64xf32, #tpu.memory_space<vmem>> -> memref<1x128x64xf32, #tpu.memory_space<vmem>>
      %dma_start3A_126 = tpu.memref_squeeze %dma_start3A_125 : memref<1x128x64xf32, #tpu.memory_space<vmem>> -> memref<128x64xf32, #tpu.memory_space<vmem>>
      tpu.enqueue_dma source(%dma_start3A_126 : memref<128x64xf32, #tpu.memory_space<vmem>>) target(%dma_start3A_122 : memref<128x64xf32, #tpu.memory_space<hbm>>) target_semaphore(%run_scoped3A_114 : memref<!tpu.dma_semaphore, #tpu.memory_space<semaphore_mem>>)
      %dma_wait3A_127 = arith.constant 0 : i32
      %dma_wait3A_128 = arith.constant 0 : i32
      %dma_wait3A_129 = tpu.memref_slice %arg6[%run_scoped3A, %dma_wait3A_127, %dma_wait3A_128] : memref<4x128x64xf32, #tpu.memory_space<vmem>> -> memref<1x128x64xf32, #tpu.memory_space<vmem>>
      %dma_wait3A_130 = tpu.memref_squeeze %dma_wait3A_129 : memref<1x128x64xf32, #tpu.memory_space<vmem>> -> memref<128x64xf32, #tpu.memory_space<vmem>>
      %dma_wait3A_131 = arith.constant 0 : i32
      %dma_wait3A_132 = tpu.memref_slice %arg4[%add3A_68, %dma_wait3A_131] : memref<131072x128xf32, #tpu.memory_space<hbm>> -> memref<128x64xf32, #tpu.memory_space<hbm>>
      %dma_wait3A_133 = arith.constant 0 : i32
      %dma_wait3A_134 = tpu.memref_slice %arg4[%add3A_68, %dma_wait3A_133] : memref<131072x128xf32, #tpu.memory_space<hbm>> -> memref<128x64xf32, #tpu.memory_space<hbm>>
      %dma_wait3A_135 = arith.constant 0 : i32
      %dma_wait3A_136 = arith.constant 0 : i32
      %dma_wait3A_137 = tpu.memref_slice %arg6[%run_scoped3A, %dma_wait3A_135, %dma_wait3A_136] : memref<4x128x64xf32, #tpu.memory_space<vmem>> -> memref<1x128x64xf32, #tpu.memory_space<vmem>>
      %dma_wait3A_138 = tpu.memref_squeeze %dma_wait3A_137 : memref<1x128x64xf32, #tpu.memory_space<vmem>> -> memref<128x64xf32, #tpu.memory_space<vmem>>
      tpu.wait_dma2 semaphore(%run_scoped3A_114 : memref<!tpu.dma_semaphore, #tpu.memory_space<semaphore_mem>>) src(%dma_wait3A_138 : memref<128x64xf32, #tpu.memory_space<vmem>>) dst(%dma_wait3A_134 : memref<128x64xf32, #tpu.memory_space<hbm>>)
      tpu.yield
    }) : () -> ()
    %dma_wait3A_69 = arith.constant 61 : i32
    %dma_wait3A_70 = arith.constant 1 : i32
    %dma_wait3A_71 = arith.constant 0 : i32
    %dma_wait3A_72 = arith.constant 0 : i32
    %dma_wait3A_73 = tpu.memref_slice %arg6[%dma_wait3A_70, %dma_wait3A_71, %dma_wait3A_72] : memref<4x128x64xf32, #tpu.memory_space<vmem>> -> memref<1x128x64xf32, #tpu.memory_space<vmem>>
    %dma_wait3A_74 = tpu.memref_squeeze %dma_wait3A_73 : memref<1x128x64xf32, #tpu.memory_space<vmem>> -> memref<128x64xf32, #tpu.memory_space<vmem>>
    %dma_wait3A_75 = arith.constant 0 : i32
    %dma_wait3A_76 = tpu.memref_slice %arg5[%dma_wait3A_69, %dma_wait3A_75] : memref<64x128xi32, #tpu.memory_space<vmem>> -> memref<1x128xi32, #tpu.memory_space<vmem>>
    %dma_wait3A_77 = tpu.memref_squeeze %dma_wait3A_76 : memref<1x128xi32, #tpu.memory_space<vmem>> -> memref<128xi32, #tpu.memory_space<vmem>>
    %dma_wait3A_78 = arith.constant 0 : i32
    %dma_wait3A_79 = arith.constant 0 : i32
    %dma_wait3A_80 = tpu.memref_slice %arg2[%dma_wait3A_78, %dma_wait3A_79] : memref<100000x64xf32, #tpu.memory_space<hbm>> -> memref<100000x64xf32, #tpu.memory_space<hbm>>
    tpu.wait_indirect_dma semaphore(%arg8 : memref<!tpu.dma_semaphore, #tpu.memory_space<semaphore_mem>>) src(%dma_wait3A_80 : memref<100000x64xf32, #tpu.memory_space<hbm>>) dst(%dma_wait3A_74 : memref<128x64xf32, #tpu.memory_space<vmem>>)
    %add3A_81 = arith.constant 122880 : i32
    %add3A_82 = arith.addi %add3A_81, %mul3A_2 : i32
    %run_scoped3A_83 = arith.constant 1 : i32
    "tpu.region"() ({
      %run_scoped3A_114 = tpu.sem_alloc : memref<!tpu.dma_semaphore, #tpu.memory_space<semaphore_mem>>
      %dma_start3A_115 = arith.constant 0 : i32
      %dma_start3A_116 = arith.constant 0 : i32
      %dma_start3A_117 = tpu.memref_slice %arg6[%run_scoped3A_83, %dma_start3A_115, %dma_start3A_116] : memref<4x128x64xf32, #tpu.memory_space<vmem>> -> memref<1x128x64xf32, #tpu.memory_space<vmem>>
      %dma_start3A_118 = tpu.memref_squeeze %dma_start3A_117 : memref<1x128x64xf32, #tpu.memory_space<vmem>> -> memref<128x64xf32, #tpu.memory_space<vmem>>
      %dma_start3A_119 = arith.constant 64 : i32
      %dma_start3A_120 = tpu.memref_slice %arg4[%add3A_82, %dma_start3A_119] : memref<131072x128xf32, #tpu.memory_space<hbm>> -> memref<128x64xf32, #tpu.memory_space<hbm>>
      %dma_start3A_121 = arith.constant 64 : i32
      %dma_start3A_122 = tpu.memref_slice %arg4[%add3A_82, %dma_start3A_121] : memref<131072x128xf32, #tpu.memory_space<hbm>> -> memref<128x64xf32, #tpu.memory_space<hbm>>
      %dma_start3A_123 = arith.constant 0 : i32
      %dma_start3A_124 = arith.constant 0 : i32
      %dma_start3A_125 = tpu.memref_slice %arg6[%run_scoped3A_83, %dma_start3A_123, %dma_start3A_124] : memref<4x128x64xf32, #tpu.memory_space<vmem>> -> memref<1x128x64xf32, #tpu.memory_space<vmem>>
      %dma_start3A_126 = tpu.memref_squeeze %dma_start3A_125 : memref<1x128x64xf32, #tpu.memory_space<vmem>> -> memref<128x64xf32, #tpu.memory_space<vmem>>
      tpu.enqueue_dma source(%dma_start3A_126 : memref<128x64xf32, #tpu.memory_space<vmem>>) target(%dma_start3A_122 : memref<128x64xf32, #tpu.memory_space<hbm>>) target_semaphore(%run_scoped3A_114 : memref<!tpu.dma_semaphore, #tpu.memory_space<semaphore_mem>>)
      %dma_wait3A_127 = arith.constant 0 : i32
      %dma_wait3A_128 = arith.constant 0 : i32
      %dma_wait3A_129 = tpu.memref_slice %arg6[%run_scoped3A_83, %dma_wait3A_127, %dma_wait3A_128] : memref<4x128x64xf32, #tpu.memory_space<vmem>> -> memref<1x128x64xf32, #tpu.memory_space<vmem>>
      %dma_wait3A_130 = tpu.memref_squeeze %dma_wait3A_129 : memref<1x128x64xf32, #tpu.memory_space<vmem>> -> memref<128x64xf32, #tpu.memory_space<vmem>>
      %dma_wait3A_131 = arith.constant 64 : i32
      %dma_wait3A_132 = tpu.memref_slice %arg4[%add3A_82, %dma_wait3A_131] : memref<131072x128xf32, #tpu.memory_space<hbm>> -> memref<128x64xf32, #tpu.memory_space<hbm>>
      %dma_wait3A_133 = arith.constant 64 : i32
      %dma_wait3A_134 = tpu.memref_slice %arg4[%add3A_82, %dma_wait3A_133] : memref<131072x128xf32, #tpu.memory_space<hbm>> -> memref<128x64xf32, #tpu.memory_space<hbm>>
      %dma_wait3A_135 = arith.constant 0 : i32
      %dma_wait3A_136 = arith.constant 0 : i32
      %dma_wait3A_137 = tpu.memref_slice %arg6[%run_scoped3A_83, %dma_wait3A_135, %dma_wait3A_136] : memref<4x128x64xf32, #tpu.memory_space<vmem>> -> memref<1x128x64xf32, #tpu.memory_space<vmem>>
      %dma_wait3A_138 = tpu.memref_squeeze %dma_wait3A_137 : memref<1x128x64xf32, #tpu.memory_space<vmem>> -> memref<128x64xf32, #tpu.memory_space<vmem>>
      tpu.wait_dma2 semaphore(%run_scoped3A_114 : memref<!tpu.dma_semaphore, #tpu.memory_space<semaphore_mem>>) src(%dma_wait3A_138 : memref<128x64xf32, #tpu.memory_space<vmem>>) dst(%dma_wait3A_134 : memref<128x64xf32, #tpu.memory_space<hbm>>)
      tpu.yield
    }) : () -> ()
    %dma_wait3A_84 = arith.constant 62 : i32
    %dma_wait3A_85 = arith.constant 2 : i32
    %dma_wait3A_86 = arith.constant 0 : i32
    %dma_wait3A_87 = arith.constant 0 : i32
    %dma_wait3A_88 = tpu.memref_slice %arg6[%dma_wait3A_85, %dma_wait3A_86, %dma_wait3A_87] : memref<4x128x64xf32, #tpu.memory_space<vmem>> -> memref<1x128x64xf32, #tpu.memory_space<vmem>>
    %dma_wait3A_89 = tpu.memref_squeeze %dma_wait3A_88 : memref<1x128x64xf32, #tpu.memory_space<vmem>> -> memref<128x64xf32, #tpu.memory_space<vmem>>
    %dma_wait3A_90 = arith.constant 0 : i32
    %dma_wait3A_91 = tpu.memref_slice %arg5[%dma_wait3A_84, %dma_wait3A_90] : memref<64x128xi32, #tpu.memory_space<vmem>> -> memref<1x128xi32, #tpu.memory_space<vmem>>
    %dma_wait3A_92 = tpu.memref_squeeze %dma_wait3A_91 : memref<1x128xi32, #tpu.memory_space<vmem>> -> memref<128xi32, #tpu.memory_space<vmem>>
    %dma_wait3A_93 = arith.constant 0 : i32
    %dma_wait3A_94 = arith.constant 0 : i32
    %dma_wait3A_95 = tpu.memref_slice %arg2[%dma_wait3A_93, %dma_wait3A_94] : memref<100000x64xf32, #tpu.memory_space<hbm>> -> memref<100000x64xf32, #tpu.memory_space<hbm>>
    tpu.wait_indirect_dma semaphore(%arg9 : memref<!tpu.dma_semaphore, #tpu.memory_space<semaphore_mem>>) src(%dma_wait3A_95 : memref<100000x64xf32, #tpu.memory_space<hbm>>) dst(%dma_wait3A_89 : memref<128x64xf32, #tpu.memory_space<vmem>>)
    %add3A_96 = arith.constant 126976 : i32
    %add3A_97 = arith.addi %add3A_96, %mul3A_2 : i32
    %run_scoped3A_98 = arith.constant 2 : i32
    "tpu.region"() ({
      %run_scoped3A_114 = tpu.sem_alloc : memref<!tpu.dma_semaphore, #tpu.memory_space<semaphore_mem>>
      %dma_start3A_115 = arith.constant 0 : i32
      %dma_start3A_116 = arith.constant 0 : i32
      %dma_start3A_117 = tpu.memref_slice %arg6[%run_scoped3A_98, %dma_start3A_115, %dma_start3A_116] : memref<4x128x64xf32, #tpu.memory_space<vmem>> -> memref<1x128x64xf32, #tpu.memory_space<vmem>>
      %dma_start3A_118 = tpu.memref_squeeze %dma_start3A_117 : memref<1x128x64xf32, #tpu.memory_space<vmem>> -> memref<128x64xf32, #tpu.memory_space<vmem>>
      %dma_start3A_119 = arith.constant 0 : i32
      %dma_start3A_120 = tpu.memref_slice %arg4[%add3A_97, %dma_start3A_119] : memref<131072x128xf32, #tpu.memory_space<hbm>> -> memref<128x64xf32, #tpu.memory_space<hbm>>
      %dma_start3A_121 = arith.constant 0 : i32
      %dma_start3A_122 = tpu.memref_slice %arg4[%add3A_97, %dma_start3A_121] : memref<131072x128xf32, #tpu.memory_space<hbm>> -> memref<128x64xf32, #tpu.memory_space<hbm>>
      %dma_start3A_123 = arith.constant 0 : i32
      %dma_start3A_124 = arith.constant 0 : i32
      %dma_start3A_125 = tpu.memref_slice %arg6[%run_scoped3A_98, %dma_start3A_123, %dma_start3A_124] : memref<4x128x64xf32, #tpu.memory_space<vmem>> -> memref<1x128x64xf32, #tpu.memory_space<vmem>>
      %dma_start3A_126 = tpu.memref_squeeze %dma_start3A_125 : memref<1x128x64xf32, #tpu.memory_space<vmem>> -> memref<128x64xf32, #tpu.memory_space<vmem>>
      tpu.enqueue_dma source(%dma_start3A_126 : memref<128x64xf32, #tpu.memory_space<vmem>>) target(%dma_start3A_122 : memref<128x64xf32, #tpu.memory_space<hbm>>) target_semaphore(%run_scoped3A_114 : memref<!tpu.dma_semaphore, #tpu.memory_space<semaphore_mem>>)
      %dma_wait3A_127 = arith.constant 0 : i32
      %dma_wait3A_128 = arith.constant 0 : i32
      %dma_wait3A_129 = tpu.memref_slice %arg6[%run_scoped3A_98, %dma_wait3A_127, %dma_wait3A_128] : memref<4x128x64xf32, #tpu.memory_space<vmem>> -> memref<1x128x64xf32, #tpu.memory_space<vmem>>
      %dma_wait3A_130 = tpu.memref_squeeze %dma_wait3A_129 : memref<1x128x64xf32, #tpu.memory_space<vmem>> -> memref<128x64xf32, #tpu.memory_space<vmem>>
      %dma_wait3A_131 = arith.constant 0 : i32
      %dma_wait3A_132 = tpu.memref_slice %arg4[%add3A_97, %dma_wait3A_131] : memref<131072x128xf32, #tpu.memory_space<hbm>> -> memref<128x64xf32, #tpu.memory_space<hbm>>
      %dma_wait3A_133 = arith.constant 0 : i32
      %dma_wait3A_134 = tpu.memref_slice %arg4[%add3A_97, %dma_wait3A_133] : memref<131072x128xf32, #tpu.memory_space<hbm>> -> memref<128x64xf32, #tpu.memory_space<hbm>>
      %dma_wait3A_135 = arith.constant 0 : i32
      %dma_wait3A_136 = arith.constant 0 : i32
      %dma_wait3A_137 = tpu.memref_slice %arg6[%run_scoped3A_98, %dma_wait3A_135, %dma_wait3A_136] : memref<4x128x64xf32, #tpu.memory_space<vmem>> -> memref<1x128x64xf32, #tpu.memory_space<vmem>>
      %dma_wait3A_138 = tpu.memref_squeeze %dma_wait3A_137 : memref<1x128x64xf32, #tpu.memory_space<vmem>> -> memref<128x64xf32, #tpu.memory_space<vmem>>
      tpu.wait_dma2 semaphore(%run_scoped3A_114 : memref<!tpu.dma_semaphore, #tpu.memory_space<semaphore_mem>>) src(%dma_wait3A_138 : memref<128x64xf32, #tpu.memory_space<vmem>>) dst(%dma_wait3A_134 : memref<128x64xf32, #tpu.memory_space<hbm>>)
      tpu.yield
    }) : () -> ()
    %dma_wait3A_99 = arith.constant 63 : i32
    %dma_wait3A_100 = arith.constant 3 : i32
    %dma_wait3A_101 = arith.constant 0 : i32
    %dma_wait3A_102 = arith.constant 0 : i32
    %dma_wait3A_103 = tpu.memref_slice %arg6[%dma_wait3A_100, %dma_wait3A_101, %dma_wait3A_102] : memref<4x128x64xf32, #tpu.memory_space<vmem>> -> memref<1x128x64xf32, #tpu.memory_space<vmem>>
    %dma_wait3A_104 = tpu.memref_squeeze %dma_wait3A_103 : memref<1x128x64xf32, #tpu.memory_space<vmem>> -> memref<128x64xf32, #tpu.memory_space<vmem>>
    %dma_wait3A_105 = arith.constant 0 : i32
    %dma_wait3A_106 = tpu.memref_slice %arg5[%dma_wait3A_99, %dma_wait3A_105] : memref<64x128xi32, #tpu.memory_space<vmem>> -> memref<1x128xi32, #tpu.memory_space<vmem>>
    %dma_wait3A_107 = tpu.memref_squeeze %dma_wait3A_106 : memref<1x128xi32, #tpu.memory_space<vmem>> -> memref<128xi32, #tpu.memory_space<vmem>>
    %dma_wait3A_108 = arith.constant 0 : i32
    %dma_wait3A_109 = arith.constant 0 : i32
    %dma_wait3A_110 = tpu.memref_slice %arg2[%dma_wait3A_108, %dma_wait3A_109] : memref<100000x64xf32, #tpu.memory_space<hbm>> -> memref<100000x64xf32, #tpu.memory_space<hbm>>
    tpu.wait_indirect_dma semaphore(%arg10 : memref<!tpu.dma_semaphore, #tpu.memory_space<semaphore_mem>>) src(%dma_wait3A_110 : memref<100000x64xf32, #tpu.memory_space<hbm>>) dst(%dma_wait3A_104 : memref<128x64xf32, #tpu.memory_space<vmem>>)
    %add3A_111 = arith.constant 126976 : i32
    %add3A_112 = arith.addi %add3A_111, %mul3A_2 : i32
    %run_scoped3A_113 = arith.constant 3 : i32
    "tpu.region"() ({
      %run_scoped3A_114 = tpu.sem_alloc : memref<!tpu.dma_semaphore, #tpu.memory_space<semaphore_mem>>
      %dma_start3A_115 = arith.constant 0 : i32
      %dma_start3A_116 = arith.constant 0 : i32
      %dma_start3A_117 = tpu.memref_slice %arg6[%run_scoped3A_113, %dma_start3A_115, %dma_start3A_116] : memref<4x128x64xf32, #tpu.memory_space<vmem>> -> memref<1x128x64xf32, #tpu.memory_space<vmem>>
      %dma_start3A_118 = tpu.memref_squeeze %dma_start3A_117 : memref<1x128x64xf32, #tpu.memory_space<vmem>> -> memref<128x64xf32, #tpu.memory_space<vmem>>
      %dma_start3A_119 = arith.constant 64 : i32
      %dma_start3A_120 = tpu.memref_slice %arg4[%add3A_112, %dma_start3A_119] : memref<131072x128xf32, #tpu.memory_space<hbm>> -> memref<128x64xf32, #tpu.memory_space<hbm>>
      %dma_start3A_121 = arith.constant 64 : i32
      %dma_start3A_122 = tpu.memref_slice %arg4[%add3A_112, %dma_start3A_121] : memref<131072x128xf32, #tpu.memory_space<hbm>> -> memref<128x64xf32, #tpu.memory_space<hbm>>
      %dma_start3A_123 = arith.constant 0 : i32
      %dma_start3A_124 = arith.constant 0 : i32
      %dma_start3A_125 = tpu.memref_slice %arg6[%run_scoped3A_113, %dma_start3A_123, %dma_start3A_124] : memref<4x128x64xf32, #tpu.memory_space<vmem>> -> memref<1x128x64xf32, #tpu.memory_space<vmem>>
      %dma_start3A_126 = tpu.memref_squeeze %dma_start3A_125 : memref<1x128x64xf32, #tpu.memory_space<vmem>> -> memref<128x64xf32, #tpu.memory_space<vmem>>
      tpu.enqueue_dma source(%dma_start3A_126 : memref<128x64xf32, #tpu.memory_space<vmem>>) target(%dma_start3A_122 : memref<128x64xf32, #tpu.memory_space<hbm>>) target_semaphore(%run_scoped3A_114 : memref<!tpu.dma_semaphore, #tpu.memory_space<semaphore_mem>>)
      %dma_wait3A_127 = arith.constant 0 : i32
      %dma_wait3A_128 = arith.constant 0 : i32
      %dma_wait3A_129 = tpu.memref_slice %arg6[%run_scoped3A_113, %dma_wait3A_127, %dma_wait3A_128] : memref<4x128x64xf32, #tpu.memory_space<vmem>> -> memref<1x128x64xf32, #tpu.memory_space<vmem>>
      %dma_wait3A_130 = tpu.memref_squeeze %dma_wait3A_129 : memref<1x128x64xf32, #tpu.memory_space<vmem>> -> memref<128x64xf32, #tpu.memory_space<vmem>>
      %dma_wait3A_131 = arith.constant 64 : i32
      %dma_wait3A_132 = tpu.memref_slice %arg4[%add3A_112, %dma_wait3A_131] : memref<131072x128xf32, #tpu.memory_space<hbm>> -> memref<128x64xf32, #tpu.memory_space<hbm>>
      %dma_wait3A_133 = arith.constant 64 : i32
      %dma_wait3A_134 = tpu.memref_slice %arg4[%add3A_112, %dma_wait3A_133] : memref<131072x128xf32, #tpu.memory_space<hbm>> -> memref<128x64xf32, #tpu.memory_space<hbm>>
      %dma_wait3A_135 = arith.constant 0 : i32
      %dma_wait3A_136 = arith.constant 0 : i32
      %dma_wait3A_137 = tpu.memref_slice %arg6[%run_scoped3A_113, %dma_wait3A_135, %dma_wait3A_136] : memref<4x128x64xf32, #tpu.memory_space<vmem>> -> memref<1x128x64xf32, #tpu.memory_space<vmem>>
      %dma_wait3A_138 = tpu.memref_squeeze %dma_wait3A_137 : memref<1x128x64xf32, #tpu.memory_space<vmem>> -> memref<128x64xf32, #tpu.memory_space<vmem>>
      tpu.wait_dma2 semaphore(%run_scoped3A_114 : memref<!tpu.dma_semaphore, #tpu.memory_space<semaphore_mem>>) src(%dma_wait3A_138 : memref<128x64xf32, #tpu.memory_space<vmem>>) dst(%dma_wait3A_134 : memref<128x64xf32, #tpu.memory_space<hbm>>)
      tpu.yield
    }) : () -> ()
    return
  }
}

module attributes {stable_mosaic.version = 14 : i64} {
  func.func @_mm_body(%arg0: i32, %arg1: memref<16384x128xf32, #tpu.memory_space<vmem>>, %arg2: memref<512x128xbf16, #tpu.memory_space<vmem>>, %arg3: memref<8x128xf32, #tpu.memory_space<vmem>>, %arg4: memref<4096x128xf32, #tpu.memory_space<vmem>>) attributes {dimension_semantics = [#tpu.dimension_semantics<arbitrary>], iteration_bounds = array<i64: 8>, scalar_prefetch = 0 : i64, scratch_operands = 0 : i64, tpu.core_type = #tpu.core_type<tc>, window_params = [{transform_indices = @transform_0, window_bounds = array<i64: 16384, 128>}, {transform_indices = @transform_1, window_bounds = array<i64: 512, 128>}, {pipeline_mode = #tpu.pipeline_mode<synchronous>, transform_indices = @transform_2, window_bounds = array<i64: 8, 128>}, {pipeline_mode = #tpu.pipeline_mode<synchronous>, transform_indices = @transform_3, window_bounds = array<i64: 4096, 128>}]} {
    %eq3A = arith.constant 0 : i32
    %eq3A_0 = arith.cmpi eq, %arg0, %eq3A : i32
    %convert_element_type3A = arith.extui %eq3A_0 : i1 to i32
    %cond3A = arith.constant 0 : i32
    %cond3A_1 = arith.cmpi ne, %convert_element_type3A, %cond3A : i32
    scf.if %cond3A_1 {
      %get3A_22 = arith.constant 0 : index
      %get3A_23 = arith.constant 0 : index
      %get3A_24 = vector.load %arg3[%get3A_22, %get3A_23] : memref<8x128xf32, #tpu.memory_space<vmem>>, vector<1x128xf32>
      %broadcast_in_dim3A = vector.shape_cast %get3A_24 : vector<1x128xf32> to vector<1x128xf32>
      %broadcast_in_dim3A_25 = vector.broadcast %broadcast_in_dim3A : vector<1x128xf32> to vector<4096x128xf32>
      %swap3A_26 = arith.constant 0 : index
      %swap3A_27 = arith.constant 0 : index
      %swap3A_28 = vector.load %arg4[%swap3A_26, %swap3A_27] : memref<4096x128xf32, #tpu.memory_space<vmem>>, vector<4096x128xf32>
      tpu.vector_store %arg4[%swap3A_26, %swap3A_27], %broadcast_in_dim3A_25 {strides = array<i32>} : memref<4096x128xf32, #tpu.memory_space<vmem>>, vector<4096x128xf32>,
    } else {
    }
    %get3A = arith.constant 0 : index
    %get3A_2 = arith.constant 0 : index
    %get3A_3 = vector.load %arg1[%get3A, %get3A_2] : memref<16384x128xf32, #tpu.memory_space<vmem>>, vector<4096x128xf32>
    %get3A_4 = arith.constant 4096 : index
    %get3A_5 = arith.constant 0 : index
    %get3A_6 = vector.load %arg1[%get3A_4, %get3A_5] : memref<16384x128xf32, #tpu.memory_space<vmem>>, vector<4096x128xf32>
    %get3A_7 = arith.constant 8192 : index
    %get3A_8 = arith.constant 0 : index
    %get3A_9 = vector.load %arg1[%get3A_7, %get3A_8] : memref<16384x128xf32, #tpu.memory_space<vmem>>, vector<4096x128xf32>
    %get3A_10 = arith.constant 12288 : index
    %get3A_11 = arith.constant 0 : index
    %get3A_12 = vector.load %arg1[%get3A_10, %get3A_11] : memref<16384x128xf32, #tpu.memory_space<vmem>>, vector<4096x128xf32>
    %concatenate3A = tpu.concatenate %get3A_3, %get3A_6, %get3A_9, %get3A_12 in 1 : vector<4096x128xf32>, vector<4096x128xf32>, vector<4096x128xf32>, vector<4096x128xf32> -> vector<4096x512xf32>
    %get3A_13 = arith.constant 0 : index
    %get3A_14 = arith.constant 0 : index
    %get3A_15 = vector.load %arg4[%get3A_13, %get3A_14] : memref<4096x128xf32, #tpu.memory_space<vmem>>, vector<4096x128xf32>
    %get3A_16 = arith.constant 0 : index
    %get3A_17 = arith.constant 0 : index
    %get3A_18 = vector.load %arg2[%get3A_16, %get3A_17] : memref<512x128xbf16, #tpu.memory_space<vmem>>, vector<512x128xbf16>
    %dot_general3A = arith.constant dense<0.000000e+00> : vector<4096x128xf32>
    %dot_general3A_19 = tpu.matmul %concatenate3A, %get3A_18, %dot_general3A {dimension_numbers = #tpu.dot_dimension_numbers<[1], [0], [0], [1], [0, 0, 1, 1], [], []>, transpose_lhs_hint = false} : vector<4096x512xf32>, vector<512x128xbf16>, vector<4096x128xf32> -> vector<4096x128xf32>
    %add3A = arith.addf %get3A_15, %dot_general3A_19 : vector<4096x128xf32>
    %swap3A = arith.constant 0 : index
    %swap3A_20 = arith.constant 0 : index
    %swap3A_21 = vector.load %arg4[%swap3A, %swap3A_20] : memref<4096x128xf32, #tpu.memory_space<vmem>>, vector<4096x128xf32>
    tpu.vector_store %arg4[%swap3A, %swap3A_20], %add3A {strides = array<i32>} : memref<4096x128xf32, #tpu.memory_space<vmem>>, vector<4096x128xf32>,
    return
  }
  func.func @transform_0(%arg0: i32) -> (i32, i32) {
    %c0_i32 = arith.constant 0 : i32
    %c0_i32_0 = arith.constant 0 : i32
    return %arg0, %c0_i32 : i32, i32
  }
  func.func @transform_1(%arg0: i32) -> (i32, i32) {
    %c0_i32 = arith.constant 0 : i32
    %c0_i32_0 = arith.constant 0 : i32
    return %arg0, %c0_i32 : i32, i32
  }
  func.func @transform_2(%arg0: i32) -> (i32, i32) {
    %c0_i32 = arith.constant 0 : i32
    %c0_i32_0 = arith.constant 0 : i32
    %c0_i32_1 = arith.constant 0 : i32
    return %c0_i32, %c0_i32_0 : i32, i32
  }
  func.func @transform_3(%arg0: i32) -> (i32, i32) {
    %c0_i32 = arith.constant 0 : i32
    %c0_i32_0 = arith.constant 0 : i32
    %c0_i32_1 = arith.constant 0 : i32
    return %c0_i32, %c0_i32_0 : i32, i32
  }
}

</mosaic_0001>

<sc_bundles>
// kernel: kernel.4.cloned.1.call-start
scs
__scs_entry_jumppad:
0x0: {  	(pc) =	sbr.rel $0x88, $3  }
0x1: {  	(tag) =	ssettag $0x0;
	lr =	simm.s32 $0x1  }
0x2: {  	[smem:$0x3F9D] =	sst lr;
	_ =	strace $0xD0000000  }
0x3: {  	_ = 	snop  }
0x4: {  	_ = 	snop  }
0x5: {  	_ = 	snop  }
0x6: {  	_ = 	snop  }
0x7: {  	_ = 	snop  }
__scs_overlays_trampoline_lowered:
0x8: {  	[smem:$0x3FAC] =	sst s0  }
0x9: {  	[smem:$0x3FAD] =	sst s1  }
0xa: {  	[smem:$0x3FAE] =	sst s2  }
0xb: {  	[smem:$0x3FAF] =	sst s3  }
0xc: {  	[smem:$0x3FB0] =	sst s4  }
0xd: {  	[smem:$0x3FB1] =	sst s5  }
0xe: {  	[smem:$0x3FB2] =	sst s6  }
0xf: {  	[smem:$0x3FB3] =	sst s7  }
0x10: {  	[smem:$0x3FB4] =	sst s8  }
0x11: {  	[smem:$0x3FB5] =	sst s9;
	s0 =	simm.s32 @!p0 $0x0  }
0x12: {  	s1 =	sld [smem:$0x3F9B];
	s0 =	simm.s32 @p0 $0x1  }
0x13: {  	[smem:$0x3FB6] =	sst s0;
	s0 =	simm.s32 @!p1 $0x0  }
0x14: {  	s2 =	sld [smem:$0x3F9A];
	s0 =	simm.s32 @p1 $0x1  }
0x15: {  	[smem:$0x3FB7] =	sst s0;
	s0 =	simm.s32 @!p2 $0x0  }
0x16: {  	s3 =	sld [smem:$0x3FDB];
	s0 =	simm.s32 @p2 $0x1  }
0x17: {  	s4 =	simm.s32 $0x1BF5;
	[smem:$0x3FB9] =	sst s0  }
0x18: {  	s0 =	sld [smem:$0x3F9C];
	_ =	swait.ge [sflag:s4], $0x0  }
0x19: {  	s7 =	sld [smem:$0x3F9D]  }
0x1a: {  	s8 =	sadd.s32 $0xFFFFE003, lr  }
0x1b: {  	s9 =	sadd.s32 $0xFFFFFEF7, lr;
	s5 =	simm.s32 $0xFFFFFFFF;
	p2 =	slt.u32 s8, $0xFFFFF086  }
0x1c: {  	p1 =	slt.u32 s9, $0xF7A;
	s5 =	simm.s32 @!p2 $0x0  }
0x1d: {  	s5 =	simm.s32 @p1 $0x1;
	p0 =	seq.s32 s7, s2  }
0x1e: {  	s7 =	smul.u32 @!p0 $0xF7A, s2;
	p2 =	seq.s32 @!p0 s5, $0x0  }
0x1f: {  	s9 =	smul.u32 $0xF7A, s1;
	s8 =	simm.s32 @!p0 $0x1BF5;
	p2 =	por !p2, p0  }
0x20: {  	[sflag:s8] =	ssyncset.s32 @!p0 $0xFFFFF086;
	s6 =	sadd.s32 @!p0 s3, s7;
	s7 =	simm.s32 @!p0 $0x108  }
0x21: {  	s3 =	sadd.s32 s3, s9;
	s6 =	sadd.s32 @!p0 $0x88, s6;
	s7 =	simm.s32 @p2 $0x1082  }
0x22: {  	[simem:s7], [sflag:s8] =	dma.local @!p0 [hbm:s6], $0xF7A  }
0x23: {  	s9 =	sor.u32 $0xD0000000, s2;
	s6 =	simm.s32 $0x108;
	_ =	swait.ge @!p0 [sflag:s8], $0x0  }
0x24: {  	s3 =	sadd.s32 $0x88, s3;
	s6 =	simm.s32 @!p1 $0x1082;
	[sflag:s4] =	ssyncset.s32 $0xFFFFF086  }
0x25: {  	[simem:s6], [sflag:s4] =	dma.local [hbm:s3], $0xF7A  }
0x26: {  	[smem:$0x3F9D] =	sst s1;
	(tag) =	ssettag s2;
	_ =	strace s9  }
0x27: {  	s1 =	sld [smem:$0x3FAD]  }
0x28: {  	s2 =	sld [smem:$0x3FAE]  }
0x29: {  	s4 =	sld [smem:$0x3FB0]  }
0x2a: {  	p0 =	seq.s32 s5, $0x0;
	s5 =	sld [smem:$0x3FB1]  }
0x2b: {  	s6 =	sld [smem:$0x3FB2]  }
0x2c: {  	s7 =	sld [smem:$0x3FB3]  }
0x2d: {  	s3 =	simm.s32 $0x108;
	s8 =	sld [smem:$0x3FB4]  }
0x2e: {  	s3 =	simm.s32 @!p0 $0x1082;
	s9 =	sld [smem:$0x3FB5]  }
0x2f: {  	lr =	sadd.s32 s0, s3;
	s0 =	sld [smem:$0x3FAC]  }
0x30: {  	s3 =	sld [smem:$0x3FAF]  }
0x31: {  	[smem:$0x3FB8] =	sst s10  }
0x32: {  	s10 =	sld [smem:$0x3FB6];
	_ =	sdelay $0x3  }
0x33: {  	p0 =	seq.s32 s10, $0x1;
	s10 =	sld [smem:$0x3FB8];
	_ =	sdelay $0x3  }
0x34: {  	[smem:$0x3FB8] =	sst s10  }
0x35: {  	s10 =	sld [smem:$0x3FB7];
	_ =	sdelay $0x3  }
0x36: {  	p1 =	seq.s32 s10, $0x1;
	s10 =	sld [smem:$0x3FB8];
	_ =	sdelay $0x3  }
0x37: {  	[smem:$0x3FB8] =	sst s10  }
0x38: {  	s10 =	sld [smem:$0x3FB9]  }
0x39: {  	_ = 	snop;
	(pc) =	sbr.ind lr, $3  }
0x3a: {  	_ = 	snop  }
0x3b: {  	_ = 	snop  }
0x3c: {  	p2 =	seq.s32 s10, $0x1;
	s10 =	sld [smem:$0x3FB8]  }
0x3d: {  	_ =	shalt  }
0x3e: {  	_ =	shalt  }
0x3f: {  	_ =	shalt  }
0x40: {  	_ =	shalt  }
0x41: {  	_ =	shalt  }
0x42: {  	_ =	shalt  }
0x43: {  	_ =	shalt  }
0x44: {  	_ =	shalt  }
0x45: {  	_ =	shalt  }
0x46: {  	_ =	shalt  }
0x47: {  	_ =	shalt  }
0x48: {  	_ =	shalt  }
0x49: {  	_ =	shalt  }
0x4a: {  	_ =	shalt  }
0x4b: {  	_ =	shalt  }
0x4c: {  	_ =	shalt  }
0x4d: {  	_ =	shalt  }
0x4e: {  	_ =	shalt  }
0x4f: {  	_ =	shalt  }
0x50: {  	_ =	shalt  }
0x51: {  	_ =	shalt  }
0x52: {  	_ =	shalt  }
0x53: {  	_ =	shalt  }
0x54: {  	_ =	shalt  }
0x55: {  	_ =	shalt  }
0x56: {  	_ =	shalt  }
0x57: {  	_ =	shalt  }
0x58: {  	_ =	shalt  }
0x59: {  	_ =	shalt  }
0x5a: {  	_ =	shalt  }
0x5b: {  	_ =	shalt  }
0x5c: {  	_ =	shalt  }
0x5d: {  	_ =	shalt  }
0x5e: {  	_ =	shalt  }
0x5f: {  	_ =	shalt  }
0x60: {  	_ =	shalt  }
0x61: {  	_ =	shalt  }
0x62: {  	_ =	shalt  }
0x63: {  	_ =	shalt  }
0x64: {  	_ =	shalt  }
0x65: {  	_ =	shalt  }
0x66: {  	_ =	shalt  }
0x67: {  	_ =	shalt  }
0x68: {  	_ =	shalt  }
0x69: {  	_ =	shalt  }
0x6a: {  	_ =	shalt  }
0x6b: {  	_ =	shalt  }
0x6c: {  	_ =	shalt  }
0x6d: {  	_ =	shalt  }
0x6e: {  	_ =	shalt  }
0x6f: {  	_ =	shalt  }
0x70: {  	_ =	shalt  }
0x71: {  	_ =	shalt  }
0x72: {  	_ =	shalt  }
0x73: {  	_ =	shalt  }
0x74: {  	_ =	shalt  }
0x75: {  	_ =	shalt  }
0x76: {  	_ =	shalt  }
0x77: {  	_ =	shalt  }
0x78: {  	_ =	shalt  }
0x79: {  	_ =	shalt  }
0x7a: {  	_ =	shalt  }
0x7b: {  	_ =	shalt  }
0x7c: {  	_ =	shalt  }
0x7d: {  	_ =	shalt  }
0x7e: {  	_ =	shalt  }
0x7f: {  	_ =	shalt  }
0x80: {  	_ =	shalt  }
0x81: {  	_ =	shalt  }
0x82: {  	_ =	shalt  }
0x83: {  	_ =	shalt  }
0x84: {  	_ =	shalt  }
0x85: {  	_ =	shalt  }
0x86: {  	_ =	shalt  }
0x87: {  	_ =	shalt  }
.Lfunc_end0:
.L_simem_size_0:
called_computation_lowered:
.L_overlay_start_0:
0x88: {  	s2 =	sld [smem:$0x3FD9]  }
0x89: {  	s3 =	sld [smem:$0x3FFE];
	_ =	sdelay $0x1  }
0x8a: {  	s1 =	srdreg.scid  }
0x8b: {  	s0 =	sand.u32 $0x1, s1  }
0x8c: {  	s16 =	sshll.u32 s0, $0xA;
	s2 =	sadd.s32 s3, s2  }
0x8d: {  	s2 =	sadd.s32 s2, s16  }
0x8e: {  	[smem:$0x3FC4] =	sst s2  }
0x8f: {  	_ = 	snop  }
0x90: {  	(tm) =	ssettm $0x1  }
0x91: {  	s17 =	sld [smem:$0x3FFB];
	_ =	sdelay $0x3  }
0x92: {  	_ =	strace s17  }
0x93: {  	s2 =	sld [smem:$0x3FFC];
	_ =	sdelay $0x3  }
0x94: {  	_ =	strace s2  }
0x95: {  	s2 =	sld [smem:$0x3FFD];
	_ =	sdelay $0x3  }
0x96: {  	_ =	strace s2  }
0x97: {  	_ =	strace $0x8FFFFFFF  }
0x98: {  	s18 =	sld [smem:$0x3FDB];
	_ =	sdelay $0x1  }
0x99: {  	s19 =	simm.s32 $_scs_section_size  }
0x9a: {  	s4 =	simm.s32 $_size__tile_overlayer_lowered;
	s5 =	simm.s32 $_tile_overlayer_lowered  }
0x9b: {  	s22 =	simm.s32 $0x1BFF;
	s21 =	sshll.u32 s5, $0x1;
	s2 =	sadd.s32 s19, s18  }
0x9c: {  	s6 =	simm.s32 $0x0;
	s20 =	sshll.u32 s4, $0x1;
	s4 =	sadd.s32 s21, s2  }
0x9d: {  	[timem:s6], [sflag:s22] =	dma.local [hbm:s4], s20  }
0x9e: {  	_ =	swait.ge [sflag:s22], s20  }
0x9f: {  	s3 =	ssub.s32 $0x0, s20;
	[sflag:s22] =	ssyncset.done $0x0  }
0xa0: {  	[sflag:s22] =	ssyncadd.s32 s3;
	_ =	sdelay $0x1  }
0xa1: {  	s23 =	simm.s32 $0x1B8B  }
0xa2: {  	_ =	swait.ge [sflag:s23], $0x1  }
0xa3: {  	[sflag:s23] =	ssyncset.done $0x0  }
0xa4: {  	s25 =	simm.s32 $0x1B8E;
	s24 =	sld [smem:$0x3FFE];
	[sflag:s23] =	ssyncadd.s32 $0xFFFFFFFF  }
0xa5: {  	s26 =	simm.s32 $execute0_lowered;
	[smem:$0x3FD2] =	sst s25  }
0xa6: {  	s4 =	sshll.u32 s26, $0x1;
	_ =	strace $0x80000046;
	[dreg:$0x1] =	wrdreg $0xFFFFFFFF  }
0xa7: {  	s28 =	simm.s32 $_size_execute0_lowered;
	s2 =	sadd.s32 s2, s4;
	[dreg:$0x0] =	wrdreg $0x0  }
0xa8: {  	s4 =	sshll.u32 s28, $0x1;
	[dreg:$0x2] =	wrdreg s2  }
0xa9: {  	[dreg:$0x3] =	wrdreg s4  }
0xaa: {  	[dreg:$0x4] =	wrdreg $0xC0  }
0xab: {  	_ =	task [dreg:s6], $0x5FFFF  }
0xac: {  	[dreg:$0x1] =	wrdreg $0xFFFFFFFF  }
0xad: {  	[dreg:$0x0] =	wrdreg $0x60  }
0xae: {  	[dreg:$0x2] =	wrdreg s24  }
0xaf: {  	[dreg:$0x3] =	wrdreg $0x9  }
0xb0: {  	_ =	task.clear_ibuf [dreg:s6], $0x4FFFF;
	_ =	strace $0x90000046  }
0xb1: {  	s29 =	simm.s32 $0x9;
	_ =	strace $0x80000048  }
0xb2: {  	_ =	swait.ge [sflag:s29], $0x1  }
0xb3: {  	[sflag:s29] =	ssyncadd.s32 $0xFFFFFFFF  }
0xb4: {  	_ =	strace $0x90000048  }
0xb5: {  	_ =	sfence  }
0xb6: {  	s30 =	sld [smem:$0x0];
	_ =	sdelay $0x2  }
0xb7: {  	s31 =	sshll.u32 s1, $0xD;
	s1 =	sshrl.u32 s1, $0x2  }
0xb8: {  	s3 =	sand.u32 $0x4000, s31;
	s1 =	sadd.s32 s1, s30  }
0xb9: {  	s0 =	sor.u32 s3, s0;
	s1 =	sshll.u32 s1, $0x11  }
0xba: {  	s0 =	sor.u32 s1, s0  }
0xbb: {  	s0 =	sadd.s32 $0x8F2B, s0  }
0xbc: {  	[sflag:s0] =	ssyncadd.remote.s32 $0x1  }
0xbd: {  	_ =	sfence.sel $0xFFFF  }
0xbe: {  	[dreg:$0x0] =	wrdreg $0xFFFFFFFF;
	(pc) =	sbr.abs _section_cstart, $3  }
0xbf: {  	[dreg:$0x1] =	wrdreg $0xFFFFFFFF  }
0xc0: {  	_ =	task.clear_ibuf [dreg:s6], $0x2FFFF;
	_ =	strace $0x9FFFFFFF  }
0xc1: {  	(tm) =	ssettm $0x7FFFFFFF  }
tec
execute0_lowered:
.L_overlay_start_1:
0x0: {  	(tag) =	ssettag $0x1  }
0x1: {  	s4 =	rddreg [dreg:$0x0]  }
0x2: {  	s2 =	srdreg.scid;
	s0 =	rddreg [dreg:$0x1]  }
0x3: {  	s1 =	stileid.u32;
	s14 =	simm.s32 $0x2000;
	s15 =	simm.s32 $0x4000  }
0x4: {  	s16 =	simm.s32 $0x100;
	s17 =	simm.s32 $0x6000;
	s18 =	simm.s32 $0x180  }
0x5: {  	s19 =	simm.s32 $0x8000;
	s20 =	simm.s32 $0x1;
	s21 =	simm.s32 $0x40  }
0x6: {  	s22 =	simm.s32 $0x2;
	s23 =	simm.s32 $0x3;
	s24 =	simm.s32 $0x4  }
0x7: {  	s25 =	simm.s32 $0x0;
	s8 =	sand.u32 $0x1, s2;
	s2 =	simm.s32 $0x0  }
0x8: {  	s3 =	sshll.u32 s1, $0x8;
	s9 =	sadd.s32 $0x24A600, s4;
	s12 =	sshll.u32 s1, $0xC  }
0x9: {  	s5 =	sshll.u32 s8, $0x7;
	[smem:$0x7FF] =	sst s2;
	s7 =	ssub.s32 $0x2, s8  }
0xa: {  	s12 =	sadd.s32 s12, s9;
	s13 =	sshll.u32 s8, $0xB;
	s5 =	sor.u32 s5, s3  }
0xb: {  	_ =	strace $0x80000047;
	s3 =	sadd.s32 $0x187000, s4;
	s31 =	sshrl.u32 s7, $0x1  }
0xc: {  	s6 =	sshrl.u32 s5, $0x3;
	s5 =	sshll.u32 s5, $0x4;
	s10 =	ssub.s32 s7, s31  }
0xd: {  	s6 =	sadd.s32 s6, s4;
	s11 =	sadd.s32 s5, s9;
	s9 =	smax.u32 s10, $0x1  }
0xe: {  	s10 =	sadd.s32 s13, s12;
	s12 =	simm.s32 $0x1000;
	s13 =	simm.s32 $0x5  }
0xf: {  	s4 =	sadd.s32 $0x600, s6;
	s5 =	sadd.s32 $0x1E0000, s11;
	s6 =	sadd.s32 $0x1E0008, s11  }
0x10: {  	s7 =	sadd.s32 $0x1F0000, s11;
	s8 =	sadd.s32 $0x1F0008, s11;
	s11 =	simm.s32 $0x80  }
.LBB2_1:
0x11: {  	[tilespmem:s2], [sflag:$0x5] =	stream.strided.gather [hbm4b:s4+s11], $0x2000, s12, s11, $0x38;
	[tilespmem:$0xA000] =	vst v63  }
0x12: {  	_ =	swait.ge [sflag:s13], $0x2000  }
0x13: {  	[sflag:s13] =	ssyncset.done $0x0  }
0x14: {  	[sflag:s13] =	ssyncadd.s32 $0xFFFFE000  }
0x15: {  	[tilespmem:s14], [sflag:$0x1] =	stream.indirect.gather [hbm4b:s3+s11], $0x40, s2, s11, $0xb8;
	[tilespmem:$0xA000] =	vst v63  }
0x16: {  	_ = 	snop  }
0x17: {  	[tilespmem:s15], [sflag:$0x2] =	stream.indirect.gather [hbm4b:s3+s11], $0x40, s11, s11, $0xb8;
	[tilespmem:$0xA000] =	vst v63  }
0x18: {  	_ = 	snop  }
0x19: {  	[tilespmem:s17], [sflag:$0x3] =	stream.indirect.gather [hbm4b:s3+s11], $0x40, s16, s11, $0xb8;
	[tilespmem:$0xA000] =	vst v63  }
0x1a: {  	_ = 	snop  }
0x1b: {  	[tilespmem:s19], [sflag:$0x4] =	stream.indirect.gather [hbm4b:s3+s11], $0x40, s18, s11, $0xb8;
	[tilespmem:$0xA000] =	vst v63  }
0x1c: {  	_ =	swait.ge [sflag:s20], $0x2000  }
0x1d: {  	[sflag:s20] =	ssyncset.done $0x0  }
0x1e: {  	[sflag:s20] =	ssyncadd.s32 $0xFFFFE000  }
0x1f: {  	[hbm4b:s10+s21] =	stream.strided.scatter [tilespmem:s14], [sflag:$0x5], $0x2000, s11, s21, $0x38;
	[tilespmem:$0xA000] =	vst v63  }
0x20: {  	_ =	swait.ge [sflag:s13], $0x2000  }
0x21: {  	[sflag:s13] =	ssyncset.done $0x0  }
0x22: {  	s26 =	simm.s32 $0x200;
	[sflag:s13] =	ssyncadd.s32 $0xFFFFE000  }
0x23: {  	[tilespmem:s14], [sflag:$0x1] =	stream.indirect.gather [hbm4b:s3+s11], $0x40, s26, s11, $0xb8;
	[tilespmem:$0xA000] =	vst v63  }
0x24: {  	_ =	swait.ge [sflag:s22], $0x2000  }
0x25: {  	[sflag:s22] =	ssyncset.done $0x0  }
0x26: {  	s31 =	sadd.s32 $0x8, s10;
	[sflag:s22] =	ssyncadd.s32 $0xFFFFE000  }
0x27: {  	[hbm4b:s31+s21] =	stream.strided.scatter [tilespmem:s15], [sflag:$0x5], $0x2000, s11, s21, $0x38;
	[tilespmem:$0xA000] =	vst v63  }
0x28: {  	_ =	swait.ge [sflag:s13], $0x2000  }
0x29: {  	[sflag:s13] =	ssyncset.done $0x0  }
0x2a: {  	s30 =	simm.s32 $0x280;
	[sflag:s13] =	ssyncadd.s32 $0xFFFFE000  }
0x2b: {  	[tilespmem:s15], [sflag:$0x2] =	stream.indirect.gather [hbm4b:s3+s11], $0x40, s30, s11, $0xb8;
	[tilespmem:$0xA000] =	vst v63  }
0x2c: {  	_ =	swait.ge [sflag:s23], $0x2000  }
0x2d: {  	[sflag:s23] =	ssyncset.done $0x0  }
0x2e: {  	s31 =	sadd.s32 $0x10000, s10;
	[sflag:s23] =	ssyncadd.s32 $0xFFFFE000  }
0x2f: {  	[hbm4b:s31+s21] =	stream.strided.scatter [tilespmem:s17], [sflag:$0x5], $0x2000, s11, s21, $0x38;
	[tilespmem:$0xA000] =	vst v63  }
0x30: {  	_ =	swait.ge [sflag:s13], $0x2000  }
0x31: {  	[sflag:s13] =	ssyncset.done $0x0  }
0x32: {  	s30 =	simm.s32 $0x300;
	[sflag:s13] =	ssyncadd.s32 $0xFFFFE000  }
0x33: {  	[tilespmem:s17], [sflag:$0x3] =	stream.indirect.gather [hbm4b:s3+s11], $0x40, s30, s11, $0xb8;
	[tilespmem:$0xA000] =	vst v63  }
0x34: {  	_ =	swait.ge [sflag:s24], $0x2000  }
0x35: {  	[sflag:s24] =	ssyncset.done $0x0  }
0x36: {  	s31 =	sadd.s32 $0x10008, s10;
	[sflag:s24] =	ssyncadd.s32 $0xFFFFE000  }
0x37: {  	[hbm4b:s31+s21] =	stream.strided.scatter [tilespmem:s19], [sflag:$0x5], $0x2000, s11, s21, $0x38;
	[tilespmem:$0xA000] =	vst v63  }
0x38: {  	_ =	swait.ge [sflag:s13], $0x2000  }
0x39: {  	s29 =	simm.s32 $0x380;
	[sflag:s13] =	ssyncset.done $0x0  }
0x3a: {  	s28 =	sadd.s32 $0x20000, s10;
	s26 =	simm.s32 $0x800;
	[sflag:s13] =	ssyncadd.s32 $0xFFFFE000  }
.LBB2_2:
0x3b: {  	[tilespmem:s19], [sflag:$0x4] =	stream.indirect.gather [hbm4b:s3+s11], $0x40, s29, s11, $0xb8;
	[tilespmem:$0xA000] =	vst v63  }
0x3c: {  	s29 =	smov.u32 s26  }
0x3d: {  	p0 =	sne.s32 s26, $0x7000;
	s26 =	sadd.s32 $0x800, s26;
	_ =	swait.ge [sflag:s20], $0x2000  }
0x3e: {  	[sflag:s20] =	ssyncset.done $0x0  }
0x3f: {  	[sflag:s20] =	ssyncadd.s32 $0xFFFFE000  }
0x40: {  	[hbm4b:s28+s21] =	stream.strided.scatter [tilespmem:s14], [sflag:$0x5], $0x2000, s11, s21, $0x38;
	[tilespmem:$0xA000] =	vst v63  }
0x41: {  	_ =	swait.ge [sflag:s13], $0x2000  }
0x42: {  	s29 =	sshra.s32 s29, $0x2;
	[sflag:s13] =	ssyncset.done $0x0  }
0x43: {  	s30 =	sadd.s32 $0x200, s29;
	[sflag:s13] =	ssyncadd.s32 $0xFFFFE000  }
0x44: {  	[tilespmem:s14], [sflag:$0x1] =	stream.indirect.gather [hbm4b:s3+s11], $0x40, s30, s11, $0xb8;
	[tilespmem:$0xA000] =	vst v63  }
0x45: {  	_ =	swait.ge [sflag:s22], $0x2000  }
0x46: {  	[sflag:s22] =	ssyncset.done $0x0  }
0x47: {  	s30 =	sadd.s32 $0x8, s28;
	[sflag:s22] =	ssyncadd.s32 $0xFFFFE000  }
0x48: {  	[hbm4b:s30+s21] =	stream.strided.scatter [tilespmem:s15], [sflag:$0x5], $0x2000, s11, s21, $0x38;
	[tilespmem:$0xA000] =	vst v63  }
0x49: {  	_ =	swait.ge [sflag:s13], $0x2000  }
0x4a: {  	[sflag:s13] =	ssyncset.done $0x0  }
0x4b: {  	s30 =	sadd.s32 $0x280, s29;
	[sflag:s13] =	ssyncadd.s32 $0xFFFFE000  }
0x4c: {  	[tilespmem:s15], [sflag:$0x2] =	stream.indirect.gather [hbm4b:s3+s11], $0x40, s30, s11, $0xb8;
	[tilespmem:$0xA000] =	vst v63  }
0x4d: {  	_ =	swait.ge [sflag:s23], $0x2000  }
0x4e: {  	[sflag:s23] =	ssyncset.done $0x0  }
0x4f: {  	s30 =	sadd.s32 $0x10000, s28;
	[sflag:s23] =	ssyncadd.s32 $0xFFFFE000  }
0x50: {  	[hbm4b:s30+s21] =	stream.strided.scatter [tilespmem:s17], [sflag:$0x5], $0x2000, s11, s21, $0x38;
	[tilespmem:$0xA000] =	vst v63  }
0x51: {  	_ =	swait.ge [sflag:s13], $0x2000  }
0x52: {  	[sflag:s13] =	ssyncset.done $0x0  }
0x53: {  	s30 =	sadd.s32 $0x300, s29;
	[sflag:s13] =	ssyncadd.s32 $0xFFFFE000  }
0x54: {  	[tilespmem:s17], [sflag:$0x3] =	stream.indirect.gather [hbm4b:s3+s11], $0x40, s30, s11, $0xb8;
	[tilespmem:$0xA000] =	vst v63  }
0x55: {  	_ =	swait.ge [sflag:s24], $0x2000  }
0x56: {  	[sflag:s24] =	ssyncset.done $0x0  }
.Ltmp0:
0x57: {  	s30 =	sadd.s32 $0x10008, s28;
	[sflag:s24] =	ssyncadd.s32 $0xFFFFE000;
	(pc) =	sbr.rel @p0 .LBB2_2-.Ltmp0, $4  }
0x58: {  	[hbm4b:s30+s21] =	stream.strided.scatter [tilespmem:s19], [sflag:$0x5], $0x2000, s11, s21, $0x38;
	[tilespmem:$0xA000] =	vst v63  }
0x59: {  	_ =	swait.ge [sflag:s13], $0x2000  }
0x5a: {  	[sflag:s13] =	ssyncset.done $0x0  }
0x5b: {  	s29 =	sadd.s32 $0x380, s29;
	s28 =	sadd.s32 $0x20000, s28;
	[sflag:s13] =	ssyncadd.s32 $0xFFFFE000  }
0x5c: {  	[tilespmem:s19], [sflag:$0x4] =	stream.indirect.gather [hbm4b:s3+s11], $0x40, s29, s11, $0xb8;
	[tilespmem:$0xA000] =	vst v63  }
0x5d: {  	_ =	swait.ge [sflag:s20], $0x2000  }
0x5e: {  	[sflag:s20] =	ssyncset.done $0x0  }
0x5f: {  	[sflag:s20] =	ssyncadd.s32 $0xFFFFE000  }
0x60: {  	[hbm4b:s5+s21] =	stream.strided.scatter [tilespmem:s14], [sflag:$0x5], $0x2000, s11, s21, $0x38;
	[tilespmem:$0xA000] =	vst v63  }
0x61: {  	_ =	swait.ge [sflag:s13], $0x2000  }
0x62: {  	[sflag:s13] =	ssyncset.done $0x0  }
0x63: {  	[sflag:s13] =	ssyncadd.s32 $0xFFFFE000  }
0x64: {  	_ =	swait.ge [sflag:s22], $0x2000  }
0x65: {  	[sflag:s22] =	ssyncset.done $0x0  }
0x66: {  	[sflag:s22] =	ssyncadd.s32 $0xFFFFE000  }
0x67: {  	[hbm4b:s6+s21] =	stream.strided.scatter [tilespmem:s15], [sflag:$0x5], $0x2000, s11, s21, $0x38;
	[tilespmem:$0xA000] =	vst v63  }
0x68: {  	_ =	swait.ge [sflag:s13], $0x2000  }
0x69: {  	[sflag:s13] =	ssyncset.done $0x0  }
0x6a: {  	[sflag:s13] =	ssyncadd.s32 $0xFFFFE000  }
0x6b: {  	_ =	swait.ge [sflag:s23], $0x2000  }
0x6c: {  	[sflag:s23] =	ssyncset.done $0x0  }
0x6d: {  	[sflag:s23] =	ssyncadd.s32 $0xFFFFE000  }
0x6e: {  	[hbm4b:s7+s21] =	stream.strided.scatter [tilespmem:s17], [sflag:$0x5], $0x2000, s11, s21, $0x38;
	[tilespmem:$0xA000] =	vst v63  }
0x6f: {  	_ =	swait.ge [sflag:s13], $0x2000  }
0x70: {  	[sflag:s13] =	ssyncset.done $0x0  }
0x71: {  	[sflag:s13] =	ssyncadd.s32 $0xFFFFE000  }
0x72: {  	s25 =	sadd.s32 $0x1, s25;
	_ =	swait.ge [sflag:s24], $0x2000  }
0x73: {  	p0 =	sne.s32 s25, s9;
	[sflag:s24] =	ssyncset.done $0x0  }
.Ltmp1:
0x74: {  	[sflag:s24] =	ssyncadd.s32 $0xFFFFE000;
	(pc) =	sbr.rel @p0 .LBB2_1-.Ltmp1, $4  }
0x75: {  	[hbm4b:s8+s21] =	stream.strided.scatter [tilespmem:s19], [sflag:$0x5], $0x2000, s11, s21, $0x38;
	[tilespmem:$0xA000] =	vst v63  }
0x76: {  	_ =	swait.ge [sflag:s13], $0x2000  }
0x77: {  	[sflag:s13] =	ssyncset.done $0x0  }
0x78: {  	[sflag:s13] =	ssyncadd.s32 $0xFFFFE000  }
0x79: {  	_ =	sfence.sel $0x180000  }
0x7a: {  	[bflag:$0x0] =	sbarrier.arrive $0xFFFF  }
0x7b: {  	p0 =	sne.s32 s1, $0x0;
	_ =	strace $0x90000047  }
0x7c: {  	s0 =	sadd.s32 @!p0 $0x100000, s0;
	[bflag:$0x2] =	sbarrier.arrive $0xFFFF  }
0x7d: {  	[sflag:s0] =	ssyncadd.tile.s32 @!p0 $0x1;
	_ =	shalt  }
.Lfunc_end2:
_tile_overlayer_lowered:
.L_overlay_start_2:
0x7e: {  	(tag) =	ssettag $0x2  }
0x7f: {  	s0 =	rddreg [dreg:$0x0];
	s2 =	stileid.u32  }
0x80: {  	s1 =	rddreg [dreg:$0x1];
	p0 =	sne.s32 s2, $0x0  }
0x81: {  	s3 =	rddreg [dreg:$0x2];
	[bflag:$0x3] =	sbarrier.arrive $0xFFFF;
	s2 =	simm.s32 @!p0 $0x1C05  }
0x82: {  	[timem:s3], [sflag:s2] =	dma.local @!p0 [hbm:s0], s1  }
0x83: {  	s0 =	simm.s32 @!p0 $0x5  }
0x84: {  	_ =	swait.ge @!p0 [sflag:s0], s1  }
0x85: {  	s1 =	ssub.s32 @!p0 $0x0, s1;
	[sflag:s0] =	ssyncset.done @!p0 $0x0  }
0x86: {  	[sflag:s0] =	ssyncadd.s32 @!p0 s1  }
0x87: {  	[bflag:$0x3] =	sbarrier.arrive $0xFFFF  }
0x88: {  	_ =	shalt  }

</sc_bundles>
